<compile_context>
chip_gen: v7x
topology: tpu7x:2x2x1
jax: 0.10.2.dev20260603
libtpu: 0.0.44.dev20260713+nightly
codegen_flags: <defaults>
</compile_context>

<pallas_src>
import functools

import jax
import jax.numpy as jnp
from jax import lax
from jax.experimental import pallas as pl
from jax.experimental.pallas import tpu as pltpu
from jax.experimental.pallas import tpu_sc as plsc

VOCAB = 100000
HIDDEN = 2048
MEM = 128
B, S = 4, 4096
N = B * S
N0 = 2048
N1 = N - N0


_info = plsc.get_sparse_core_info()
_NC, _NS = _info.num_cores, _info.num_subcores
_NW = _NC * _NS


def _make_sc_gather(n_tok, tok_base):
    npw = n_tok // _NW
    nch = -(-npw // 128)
    ch = npw // nch
    assert ch * nch == npw and ch <= 128 and ch % 8 == 0

    @functools.partial(
        pl.kernel,
        mesh=plsc.VectorSubcoreMesh(core_axis_name="c", subcore_axis_name="s"),
        out_type=jax.ShapeDtypeStruct((n_tok, MEM), jnp.float32),
        scratch_types=[
            pltpu.VMEM((npw,), jnp.int32),
            pltpu.VMEM((npw, MEM), jnp.float32),
            pltpu.SemaphoreType.DMA,
        ],
    )
    def sc_gather(table_hbm, idx_hbm, out_hbm, idx_v, rows_v, sem):
        wid = lax.axis_index("s") * _NC + lax.axis_index("c")
        base = wid * npw
        pltpu.sync_copy(idx_hbm.at[pl.ds(tok_base + base, npw)], idx_v)
        copies = [
            pltpu.async_copy(
                table_hbm.at[idx_v.at[pl.ds(j * ch, ch)]],
                rows_v.at[pl.ds(j * ch, ch)],
                sem,
            )
            for j in range(nch)
        ]
        for c in copies:
            c.wait()
        pltpu.sync_copy(rows_v, out_hbm.at[pl.ds(base, npw)])

    return sc_gather


_sc_gather0 = _make_sc_gather(N0, 0)
_sc_gather1 = _make_sc_gather(N1, N0)


_TB = 1024


def _prep_body(wg_ref, wo_ref, nw_ref, wgb_ref, wob_ref, m_ref):
    wo = wo_ref[...]
    wob = wo.astype(jnp.bfloat16)
    m_ref[...] = lax.dot_general(wob, wob, (((0,), (0,)), ((), ())),
                                 preferred_element_type=jnp.float32)
    wob_ref[...] = (wo * nw_ref[...].reshape(HIDDEN, 1)).astype(jnp.bfloat16)
    wgb_ref[...] = wg_ref[...].astype(jnp.bfloat16)


def _passa_compute(hs_ref, e_ref, wgb_ref, m_ref, va_ref):
    hs = hs_ref[...].astype(jnp.bfloat16)
    g = jax.nn.sigmoid(
        lax.dot_general(hs, wgb_ref[...], (((1,), (1,)), ((), ())),
                        preferred_element_type=jnp.float32))
    v = e_ref[...] + g
    vb = v.astype(jnp.bfloat16)
    q = lax.dot_general(vb, m_ref[...], (((1,), (0,)), ((), ())),
                        preferred_element_type=jnp.float32)
    ss = jnp.sum(v * q, axis=-1, keepdims=True)
    va_ref[...] = (v * lax.rsqrt(ss * (1.0 / HIDDEN) + 1e-6)
                   ).astype(jnp.bfloat16)


def _passa0_body(hs_ref, e_ref, wgb_ref, m_ref, va_ref):
    _passa_compute(hs_ref, e_ref, wgb_ref, m_ref, va_ref)


def _passa1_body(hs_ref, e_ref, wgb_ref, m_ref, va0_ref, va_ref):
    del va0_ref
    _passa_compute(hs_ref, e_ref, wgb_ref, m_ref, va_ref)


def _passb_body(va_ref, wob_ref, out_ref):
    out_ref[...] = lax.dot_general(va_ref[...], wob_ref[...],
                                   (((1,), (1,)), ((), ())),
                                   preferred_element_type=jnp.float32)


_B0 = N0 // _TB


def kernel(hidden_states, input_ids, memory, W_gate, W_out, norm_w):
    hs = hidden_states.reshape(N, HIDDEN)
    ids = input_ids.astype(jnp.int32).reshape(N)

    e0 = _sc_gather0(memory, ids)
    e1 = _sc_gather1(memory, ids)

    wgb, wob, m = pl.pallas_call(
        _prep_body,
        in_specs=[
            pl.BlockSpec((MEM, HIDDEN), lambda: (0, 0)),
            pl.BlockSpec((HIDDEN, MEM), lambda: (0, 0)),
            pl.BlockSpec((1, HIDDEN), lambda: (0, 0)),
        ],
        out_specs=[
            pl.BlockSpec((MEM, HIDDEN), lambda: (0, 0)),
            pl.BlockSpec((HIDDEN, MEM), lambda: (0, 0)),
            pl.BlockSpec((MEM, MEM), lambda: (0, 0)),
        ],
        out_shape=[
            jax.ShapeDtypeStruct((MEM, HIDDEN), jnp.bfloat16),
            jax.ShapeDtypeStruct((HIDDEN, MEM), jnp.bfloat16),
            jax.ShapeDtypeStruct((MEM, MEM), jnp.float32),
        ],
    )(W_gate, W_out, norm_w.reshape(1, HIDDEN))

    _a_w_specs = [
        pl.BlockSpec((MEM, HIDDEN), lambda i: (0, 0)),
        pl.BlockSpec((MEM, MEM), lambda i: (0, 0)),
    ]

    va0 = pl.pallas_call(
        _passa0_body,
        grid=(_B0,),
        in_specs=[
            pl.BlockSpec((_TB, HIDDEN), lambda i: (i, 0)),
            pl.BlockSpec((_TB, MEM), lambda i: (i, 0)),
        ] + _a_w_specs,
        out_specs=pl.BlockSpec((_TB, MEM), lambda i: (i, 0)),
        out_shape=jax.ShapeDtypeStruct((N, MEM), jnp.bfloat16),
    )(hs, e0, wgb, m)

    va = pl.pallas_call(
        _passa1_body,
        grid=(N1 // _TB,),
        in_specs=[
            pl.BlockSpec((_TB, HIDDEN), lambda i: (i + _B0, 0)),
            pl.BlockSpec((_TB, MEM), lambda i: (i, 0)),
        ] + _a_w_specs + [pl.BlockSpec(memory_space=pl.ANY)],
        out_specs=pl.BlockSpec((_TB, MEM), lambda i: (i + _B0, 0)),
        out_shape=jax.ShapeDtypeStruct((N, MEM), jnp.bfloat16),
        input_output_aliases={4: 0},
    )(hs, e1, wgb, m, va0)

    out = pl.pallas_call(
        _passb_body,
        grid=(N // _TB,),
        in_specs=[
            pl.BlockSpec((_TB, MEM), lambda i: (i, 0)),
            pl.BlockSpec((HIDDEN, MEM), lambda i: (0, 0)),
        ],
        out_specs=pl.BlockSpec((_TB, HIDDEN), lambda i: (i, 0)),
        out_shape=jax.ShapeDtypeStruct((N, HIDDEN), jnp.float32),
    )(va, wob)

    return out.reshape(B, S, HIDDEN)

# --- scband reference (transcript-rebuilt; emitter-appended) ---
"""Pipeline reference for scband-me-ki-module-85564338471612 (READ-ONLY COPY).

The authoritative reference and input builder live on the scoring server;
editing this copy changes nothing except your own understanding.
"""

import jax, jax.numpy as jnp
import numpy as np

VOCAB = 100000
HIDDEN = 2048
MEM = 128
B, S = 4, 4096

def setup_inputs(seed: int = 0) -> dict:
    key = jax.random.key(seed)
    k1, k2, k3, k4, k5 = jax.random.split(key, 5)
    hidden_states = jax.random.normal(k1, (B, S, HIDDEN), dtype=jnp.float32)
    input_ids = jax.random.randint(k2, (B, S), 0, VOCAB, dtype=jnp.int64)
    memory = jax.random.normal(k3, (VOCAB, MEM), dtype=jnp.float32) * 0.02
    # xavier_uniform for gate_proj.weight [mem_dim, hidden_dim]
    lim_g = float(np.sqrt(6.0 / (MEM + HIDDEN)))
    W_gate = jax.random.uniform(k4, (MEM, HIDDEN), dtype=jnp.float32, minval=-lim_g, maxval=lim_g)
    # xavier_uniform for out_proj.weight [hidden_dim, mem_dim]
    lim_o = float(np.sqrt(6.0 / (HIDDEN + MEM)))
    W_out = jax.random.uniform(k5, (HIDDEN, MEM), dtype=jnp.float32, minval=-lim_o, maxval=lim_o)
    norm_w = jnp.ones((HIDDEN,), dtype=jnp.float32)
    return {"hidden_states": hidden_states, "input_ids": input_ids, "memory": memory, "W_gate": W_gate, "W_out": W_out, "norm_w": norm_w}

def _rmsnorm(x, w, eps=1e-6):
    var = jnp.mean(x * x, axis=-1, keepdims=True)
    return x * jax.lax.rsqrt(var + eps) * w

def reference(hidden_states, input_ids, memory, W_gate, W_out, norm_w):
    # 1. Retrieve: embedding gather
    e = jnp.take(memory, input_ids, axis=0)  # [B, S, MEM]
    # 2. Gate
    g = jax.nn.sigmoid(jnp.einsum('bsh,mh->bsm', hidden_states, W_gate))
    # 3. Fuse (additive)
    v = e + g
    # 4. Project
    y = jnp.einsum('bsm,hm->bsh', v, W_out)
    # 5. RMSNorm
    return _rmsnorm(y, norm_w)

if __name__ == "__main__":
    import jax
    _d = setup_inputs()
    print(jax.jit(kernel)(*tuple(_d.values())))

</pallas_src>

<mosaic_0001>
#map = affine_map<(d0, d1) -> (0, 0)>
#map1 = affine_map<(d0, d1) -> (0)>
module attributes {stable_mosaic.version = 14 : i64} {
  func.func @sc_gather(%arg0: i32, %arg1: i32, %arg2: memref<100000x128xf32, #tpu.memory_space<hbm>>, %arg3: memref<16384xi32, #tpu.memory_space<hbm>>, %arg4: memref<14336x128xf32, #tpu.memory_space<hbm>>, %arg5: memref<448xi32, #tpu.memory_space<vmem>>, %arg6: memref<448x128xf32, #tpu.memory_space<vmem>>, %arg7: memref<!tpu.dma_semaphore, #tpu.memory_space<semaphore_mem>>) attributes {dimension_semantics = [#tpu.dimension_semantics<core_parallel>, #tpu.dimension_semantics<subcore_parallel>], iteration_bounds = array<i64: 2, 16>, scalar_prefetch = 0 : i64, scratch_operands = 3 : i64, tpu.core_type = #tpu.core_type<sc_vector_subcore>, window_params = [{transform_indices = #map}, {transform_indices = #map1}, {transform_indices = #map}]} {
    %mul3A = arith.constant 2 : i32
    %mul3A_0 = arith.muli %arg1, %mul3A : i32
    %add3A = arith.addi %mul3A_0, %arg0 : i32
    %mul3A_1 = arith.constant 448 : i32
    %mul3A_2 = arith.muli %add3A, %mul3A_1 : i32
    %add3A_3 = arith.constant 2048 : i32
    %add3A_4 = arith.addi %add3A_3, %mul3A_2 : i32
    "tpu.region"() ({
      %run_scoped3A = tpu.sem_alloc : memref<!tpu.dma_semaphore, #tpu.memory_space<semaphore_mem>>
      %dma_start3A_67 = tpu.memref_slice %arg3[%add3A_4] : memref<16384xi32, #tpu.memory_space<hbm>> -> memref<448xi32, #tpu.memory_space<hbm>>
      %dma_start3A_68 = tpu.memref_slice %arg3[%add3A_4] : memref<16384xi32, #tpu.memory_space<hbm>> -> memref<448xi32, #tpu.memory_space<hbm>>
      tpu.enqueue_dma source(%dma_start3A_68 : memref<448xi32, #tpu.memory_space<hbm>>) target(%arg5 : memref<448xi32, #tpu.memory_space<vmem>>) target_semaphore(%run_scoped3A : memref<!tpu.dma_semaphore, #tpu.memory_space<semaphore_mem>>)
      %dma_wait3A_69 = tpu.memref_slice %arg3[%add3A_4] : memref<16384xi32, #tpu.memory_space<hbm>> -> memref<448xi32, #tpu.memory_space<hbm>>
      %dma_wait3A_70 = tpu.memref_slice %arg3[%add3A_4] : memref<16384xi32, #tpu.memory_space<hbm>> -> memref<448xi32, #tpu.memory_space<hbm>>
      tpu.wait_dma2 semaphore(%run_scoped3A : memref<!tpu.dma_semaphore, #tpu.memory_space<semaphore_mem>>) src(%dma_wait3A_70 : memref<448xi32, #tpu.memory_space<hbm>>) dst(%arg5 : memref<448xi32, #tpu.memory_space<vmem>>)
      tpu.yield
    }) : () -> ()
    %dma_start3A = arith.constant 0 : i32
    %dma_start3A_5 = arith.constant 0 : i32
    %dma_start3A_6 = tpu.memref_slice %arg6[%dma_start3A, %dma_start3A_5] : memref<448x128xf32, #tpu.memory_space<vmem>> -> memref<112x128xf32, #tpu.memory_space<vmem>>
    %dma_start3A_7 = arith.constant 0 : i32
    %dma_start3A_8 = tpu.memref_slice %arg5[%dma_start3A_7] : memref<448xi32, #tpu.memory_space<vmem>> -> memref<112xi32, #tpu.memory_space<vmem>>
    %dma_start3A_9 = arith.constant 0 : i32
    %dma_start3A_10 = arith.constant 0 : i32
    %dma_start3A_11 = tpu.memref_slice %arg2[%dma_start3A_9, %dma_start3A_10] : memref<100000x128xf32, #tpu.memory_space<hbm>> -> memref<100000x128xf32, #tpu.memory_space<hbm>>
    tpu.enqueue_indirect_dma source(%dma_start3A_11 : memref<100000x128xf32, #tpu.memory_space<hbm>>) target(%dma_start3A_6 : memref<112x128xf32, #tpu.memory_space<vmem>>) offsets(%dma_start3A_8 : memref<112xi32, #tpu.memory_space<vmem>>) semaphore(%arg7 : memref<!tpu.dma_semaphore, #tpu.memory_space<semaphore_mem>>)
    %dma_start3A_12 = arith.constant 112 : i32
    %dma_start3A_13 = arith.constant 0 : i32
    %dma_start3A_14 = tpu.memref_slice %arg6[%dma_start3A_12, %dma_start3A_13] : memref<448x128xf32, #tpu.memory_space<vmem>> -> memref<112x128xf32, #tpu.memory_space<vmem>>
    %dma_start3A_15 = arith.constant 112 : i32
    %dma_start3A_16 = tpu.memref_slice %arg5[%dma_start3A_15] : memref<448xi32, #tpu.memory_space<vmem>> -> memref<112xi32, #tpu.memory_space<vmem>>
    %dma_start3A_17 = arith.constant 0 : i32
    %dma_start3A_18 = arith.constant 0 : i32
    %dma_start3A_19 = tpu.memref_slice %arg2[%dma_start3A_17, %dma_start3A_18] : memref<100000x128xf32, #tpu.memory_space<hbm>> -> memref<100000x128xf32, #tpu.memory_space<hbm>>
    tpu.enqueue_indirect_dma source(%dma_start3A_19 : memref<100000x128xf32, #tpu.memory_space<hbm>>) target(%dma_start3A_14 : memref<112x128xf32, #tpu.memory_space<vmem>>) offsets(%dma_start3A_16 : memref<112xi32, #tpu.memory_space<vmem>>) semaphore(%arg7 : memref<!tpu.dma_semaphore, #tpu.memory_space<semaphore_mem>>)
    %dma_start3A_20 = arith.constant 224 : i32
    %dma_start3A_21 = arith.constant 0 : i32
    %dma_start3A_22 = tpu.memref_slice %arg6[%dma_start3A_20, %dma_start3A_21] : memref<448x128xf32, #tpu.memory_space<vmem>> -> memref<112x128xf32, #tpu.memory_space<vmem>>
    %dma_start3A_23 = arith.constant 224 : i32
    %dma_start3A_24 = tpu.memref_slice %arg5[%dma_start3A_23] : memref<448xi32, #tpu.memory_space<vmem>> -> memref<112xi32, #tpu.memory_space<vmem>>
    %dma_start3A_25 = arith.constant 0 : i32
    %dma_start3A_26 = arith.constant 0 : i32
    %dma_start3A_27 = tpu.memref_slice %arg2[%dma_start3A_25, %dma_start3A_26] : memref<100000x128xf32, #tpu.memory_space<hbm>> -> memref<100000x128xf32, #tpu.memory_space<hbm>>
    tpu.enqueue_indirect_dma source(%dma_start3A_27 : memref<100000x128xf32, #tpu.memory_space<hbm>>) target(%dma_start3A_22 : memref<112x128xf32, #tpu.memory_space<vmem>>) offsets(%dma_start3A_24 : memref<112xi32, #tpu.memory_space<vmem>>) semaphore(%arg7 : memref<!tpu.dma_semaphore, #tpu.memory_space<semaphore_mem>>)
    %dma_start3A_28 = arith.constant 336 : i32
    %dma_start3A_29 = arith.constant 0 : i32
    %dma_start3A_30 = tpu.memref_slice %arg6[%dma_start3A_28, %dma_start3A_29] : memref<448x128xf32, #tpu.memory_space<vmem>> -> memref<112x128xf32, #tpu.memory_space<vmem>>
    %dma_start3A_31 = arith.constant 336 : i32
    %dma_start3A_32 = tpu.memref_slice %arg5[%dma_start3A_31] : memref<448xi32, #tpu.memory_space<vmem>> -> memref<112xi32, #tpu.memory_space<vmem>>
    %dma_start3A_33 = arith.constant 0 : i32
    %dma_start3A_34 = arith.constant 0 : i32
    %dma_start3A_35 = tpu.memref_slice %arg2[%dma_start3A_33, %dma_start3A_34] : memref<100000x128xf32, #tpu.memory_space<hbm>> -> memref<100000x128xf32, #tpu.memory_space<hbm>>
    tpu.enqueue_indirect_dma source(%dma_start3A_35 : memref<100000x128xf32, #tpu.memory_space<hbm>>) target(%dma_start3A_30 : memref<112x128xf32, #tpu.memory_space<vmem>>) offsets(%dma_start3A_32 : memref<112xi32, #tpu.memory_space<vmem>>) semaphore(%arg7 : memref<!tpu.dma_semaphore, #tpu.memory_space<semaphore_mem>>)
    %dma_wait3A = arith.constant 0 : i32
    %dma_wait3A_36 = arith.constant 0 : i32
    %dma_wait3A_37 = tpu.memref_slice %arg6[%dma_wait3A, %dma_wait3A_36] : memref<448x128xf32, #tpu.memory_space<vmem>> -> memref<112x128xf32, #tpu.memory_space<vmem>>
    %dma_wait3A_38 = arith.constant 0 : i32
    %dma_wait3A_39 = tpu.memref_slice %arg5[%dma_wait3A_38] : memref<448xi32, #tpu.memory_space<vmem>> -> memref<112xi32, #tpu.memory_space<vmem>>
    %dma_wait3A_40 = arith.constant 0 : i32
    %dma_wait3A_41 = arith.constant 0 : i32
    %dma_wait3A_42 = tpu.memref_slice %arg2[%dma_wait3A_40, %dma_wait3A_41] : memref<100000x128xf32, #tpu.memory_space<hbm>> -> memref<100000x128xf32, #tpu.memory_space<hbm>>
    tpu.wait_indirect_dma semaphore(%arg7 : memref<!tpu.dma_semaphore, #tpu.memory_space<semaphore_mem>>) src(%dma_wait3A_42 : memref<100000x128xf32, #tpu.memory_space<hbm>>) dst(%dma_wait3A_37 : memref<112x128xf32, #tpu.memory_space<vmem>>)
    %dma_wait3A_43 = arith.constant 112 : i32
    %dma_wait3A_44 = arith.constant 0 : i32
    %dma_wait3A_45 = tpu.memref_slice %arg6[%dma_wait3A_43, %dma_wait3A_44] : memref<448x128xf32, #tpu.memory_space<vmem>> -> memref<112x128xf32, #tpu.memory_space<vmem>>
    %dma_wait3A_46 = arith.constant 112 : i32
    %dma_wait3A_47 = tpu.memref_slice %arg5[%dma_wait3A_46] : memref<448xi32, #tpu.memory_space<vmem>> -> memref<112xi32, #tpu.memory_space<vmem>>
    %dma_wait3A_48 = arith.constant 0 : i32
    %dma_wait3A_49 = arith.constant 0 : i32
    %dma_wait3A_50 = tpu.memref_slice %arg2[%dma_wait3A_48, %dma_wait3A_49] : memref<100000x128xf32, #tpu.memory_space<hbm>> -> memref<100000x128xf32, #tpu.memory_space<hbm>>
    tpu.wait_indirect_dma semaphore(%arg7 : memref<!tpu.dma_semaphore, #tpu.memory_space<semaphore_mem>>) src(%dma_wait3A_50 : memref<100000x128xf32, #tpu.memory_space<hbm>>) dst(%dma_wait3A_45 : memref<112x128xf32, #tpu.memory_space<vmem>>)
    %dma_wait3A_51 = arith.constant 224 : i32
    %dma_wait3A_52 = arith.constant 0 : i32
    %dma_wait3A_53 = tpu.memref_slice %arg6[%dma_wait3A_51, %dma_wait3A_52] : memref<448x128xf32, #tpu.memory_space<vmem>> -> memref<112x128xf32, #tpu.memory_space<vmem>>
    %dma_wait3A_54 = arith.constant 224 : i32
    %dma_wait3A_55 = tpu.memref_slice %arg5[%dma_wait3A_54] : memref<448xi32, #tpu.memory_space<vmem>> -> memref<112xi32, #tpu.memory_space<vmem>>
    %dma_wait3A_56 = arith.constant 0 : i32
    %dma_wait3A_57 = arith.constant 0 : i32
    %dma_wait3A_58 = tpu.memref_slice %arg2[%dma_wait3A_56, %dma_wait3A_57] : memref<100000x128xf32, #tpu.memory_space<hbm>> -> memref<100000x128xf32, #tpu.memory_space<hbm>>
    tpu.wait_indirect_dma semaphore(%arg7 : memref<!tpu.dma_semaphore, #tpu.memory_space<semaphore_mem>>) src(%dma_wait3A_58 : memref<100000x128xf32, #tpu.memory_space<hbm>>) dst(%dma_wait3A_53 : memref<112x128xf32, #tpu.memory_space<vmem>>)
    %dma_wait3A_59 = arith.constant 336 : i32
    %dma_wait3A_60 = arith.constant 0 : i32
    %dma_wait3A_61 = tpu.memref_slice %arg6[%dma_wait3A_59, %dma_wait3A_60] : memref<448x128xf32, #tpu.memory_space<vmem>> -> memref<112x128xf32, #tpu.memory_space<vmem>>
    %dma_wait3A_62 = arith.constant 336 : i32
    %dma_wait3A_63 = tpu.memref_slice %arg5[%dma_wait3A_62] : memref<448xi32, #tpu.memory_space<vmem>> -> memref<112xi32, #tpu.memory_space<vmem>>
    %dma_wait3A_64 = arith.constant 0 : i32
    %dma_wait3A_65 = arith.constant 0 : i32
    %dma_wait3A_66 = tpu.memref_slice %arg2[%dma_wait3A_64, %dma_wait3A_65] : memref<100000x128xf32, #tpu.memory_space<hbm>> -> memref<100000x128xf32, #tpu.memory_space<hbm>>
    tpu.wait_indirect_dma semaphore(%arg7 : memref<!tpu.dma_semaphore, #tpu.memory_space<semaphore_mem>>) src(%dma_wait3A_66 : memref<100000x128xf32, #tpu.memory_space<hbm>>) dst(%dma_wait3A_61 : memref<112x128xf32, #tpu.memory_space<vmem>>)
    "tpu.region"() ({
      %run_scoped3A = tpu.sem_alloc : memref<!tpu.dma_semaphore, #tpu.memory_space<semaphore_mem>>
      %dma_start3A_67 = arith.constant 0 : i32
      %dma_start3A_68 = tpu.memref_slice %arg4[%mul3A_2, %dma_start3A_67] : memref<14336x128xf32, #tpu.memory_space<hbm>> -> memref<448x128xf32, #tpu.memory_space<hbm>>
      %dma_start3A_69 = arith.constant 0 : i32
      %dma_start3A_70 = tpu.memref_slice %arg4[%mul3A_2, %dma_start3A_69] : memref<14336x128xf32, #tpu.memory_space<hbm>> -> memref<448x128xf32, #tpu.memory_space<hbm>>
      tpu.enqueue_dma source(%arg6 : memref<448x128xf32, #tpu.memory_space<vmem>>) target(%dma_start3A_70 : memref<448x128xf32, #tpu.memory_space<hbm>>) target_semaphore(%run_scoped3A : memref<!tpu.dma_semaphore, #tpu.memory_space<semaphore_mem>>)
      %dma_wait3A_71 = arith.constant 0 : i32
      %dma_wait3A_72 = tpu.memref_slice %arg4[%mul3A_2, %dma_wait3A_71] : memref<14336x128xf32, #tpu.memory_space<hbm>> -> memref<448x128xf32, #tpu.memory_space<hbm>>
      %dma_wait3A_73 = arith.constant 0 : i32
      %dma_wait3A_74 = tpu.memref_slice %arg4[%mul3A_2, %dma_wait3A_73] : memref<14336x128xf32, #tpu.memory_space<hbm>> -> memref<448x128xf32, #tpu.memory_space<hbm>>
      tpu.wait_dma2 semaphore(%run_scoped3A : memref<!tpu.dma_semaphore, #tpu.memory_space<semaphore_mem>>) src(%arg6 : memref<448x128xf32, #tpu.memory_space<vmem>>) dst(%dma_wait3A_74 : memref<448x128xf32, #tpu.memory_space<hbm>>)
      tpu.yield
    }) : () -> ()
    return
  }
}

#map = affine_map<(d0, d1) -> (0, 0)>
#map1 = affine_map<(d0, d1) -> (0)>
module attributes {stable_mosaic.version = 14 : i64} {
  func.func @sc_gather(%arg0: i32, %arg1: i32, %arg2: memref<100000x128xf32, #tpu.memory_space<hbm>>, %arg3: memref<16384xi32, #tpu.memory_space<hbm>>, %arg4: memref<2048x128xf32, #tpu.memory_space<hbm>>, %arg5: memref<64xi32, #tpu.memory_space<vmem>>, %arg6: memref<64x128xf32, #tpu.memory_space<vmem>>, %arg7: memref<!tpu.dma_semaphore, #tpu.memory_space<semaphore_mem>>) attributes {dimension_semantics = [#tpu.dimension_semantics<core_parallel>, #tpu.dimension_semantics<subcore_parallel>], iteration_bounds = array<i64: 2, 16>, scalar_prefetch = 0 : i64, scratch_operands = 3 : i64, tpu.core_type = #tpu.core_type<sc_vector_subcore>, window_params = [{transform_indices = #map}, {transform_indices = #map1}, {transform_indices = #map}]} {
    %mul3A = arith.constant 2 : i32
    %mul3A_0 = arith.muli %arg1, %mul3A : i32
    %add3A = arith.addi %mul3A_0, %arg0 : i32
    %mul3A_1 = arith.constant 64 : i32
    %mul3A_2 = arith.muli %add3A, %mul3A_1 : i32
    %add3A_3 = arith.constant 0 : i32
    %add3A_4 = arith.addi %add3A_3, %mul3A_2 : i32
    "tpu.region"() ({
      %run_scoped3A = tpu.sem_alloc : memref<!tpu.dma_semaphore, #tpu.memory_space<semaphore_mem>>
      %dma_start3A_19 = tpu.memref_slice %arg3[%add3A_4] : memref<16384xi32, #tpu.memory_space<hbm>> -> memref<64xi32, #tpu.memory_space<hbm>>
      %dma_start3A_20 = tpu.memref_slice %arg3[%add3A_4] : memref<16384xi32, #tpu.memory_space<hbm>> -> memref<64xi32, #tpu.memory_space<hbm>>
      tpu.enqueue_dma source(%dma_start3A_20 : memref<64xi32, #tpu.memory_space<hbm>>) target(%arg5 : memref<64xi32, #tpu.memory_space<vmem>>) target_semaphore(%run_scoped3A : memref<!tpu.dma_semaphore, #tpu.memory_space<semaphore_mem>>)
      %dma_wait3A_21 = tpu.memref_slice %arg3[%add3A_4] : memref<16384xi32, #tpu.memory_space<hbm>> -> memref<64xi32, #tpu.memory_space<hbm>>
      %dma_wait3A_22 = tpu.memref_slice %arg3[%add3A_4] : memref<16384xi32, #tpu.memory_space<hbm>> -> memref<64xi32, #tpu.memory_space<hbm>>
      tpu.wait_dma2 semaphore(%run_scoped3A : memref<!tpu.dma_semaphore, #tpu.memory_space<semaphore_mem>>) src(%dma_wait3A_22 : memref<64xi32, #tpu.memory_space<hbm>>) dst(%arg5 : memref<64xi32, #tpu.memory_space<vmem>>)
      tpu.yield
    }) : () -> ()
    %dma_start3A = arith.constant 0 : i32
    %dma_start3A_5 = arith.constant 0 : i32
    %dma_start3A_6 = tpu.memref_slice %arg6[%dma_start3A, %dma_start3A_5] : memref<64x128xf32, #tpu.memory_space<vmem>> -> memref<64x128xf32, #tpu.memory_space<vmem>>
    %dma_start3A_7 = arith.constant 0 : i32
    %dma_start3A_8 = tpu.memref_slice %arg5[%dma_start3A_7] : memref<64xi32, #tpu.memory_space<vmem>> -> memref<64xi32, #tpu.memory_space<vmem>>
    %dma_start3A_9 = arith.constant 0 : i32
    %dma_start3A_10 = arith.constant 0 : i32
    %dma_start3A_11 = tpu.memref_slice %arg2[%dma_start3A_9, %dma_start3A_10] : memref<100000x128xf32, #tpu.memory_space<hbm>> -> memref<100000x128xf32, #tpu.memory_space<hbm>>
    tpu.enqueue_indirect_dma source(%dma_start3A_11 : memref<100000x128xf32, #tpu.memory_space<hbm>>) target(%dma_start3A_6 : memref<64x128xf32, #tpu.memory_space<vmem>>) offsets(%dma_start3A_8 : memref<64xi32, #tpu.memory_space<vmem>>) semaphore(%arg7 : memref<!tpu.dma_semaphore, #tpu.memory_space<semaphore_mem>>)
    %dma_wait3A = arith.constant 0 : i32
    %dma_wait3A_12 = arith.constant 0 : i32
    %dma_wait3A_13 = tpu.memref_slice %arg6[%dma_wait3A, %dma_wait3A_12] : memref<64x128xf32, #tpu.memory_space<vmem>> -> memref<64x128xf32, #tpu.memory_space<vmem>>
    %dma_wait3A_14 = arith.constant 0 : i32
    %dma_wait3A_15 = tpu.memref_slice %arg5[%dma_wait3A_14] : memref<64xi32, #tpu.memory_space<vmem>> -> memref<64xi32, #tpu.memory_space<vmem>>
    %dma_wait3A_16 = arith.constant 0 : i32
    %dma_wait3A_17 = arith.constant 0 : i32
    %dma_wait3A_18 = tpu.memref_slice %arg2[%dma_wait3A_16, %dma_wait3A_17] : memref<100000x128xf32, #tpu.memory_space<hbm>> -> memref<100000x128xf32, #tpu.memory_space<hbm>>
    tpu.wait_indirect_dma semaphore(%arg7 : memref<!tpu.dma_semaphore, #tpu.memory_space<semaphore_mem>>) src(%dma_wait3A_18 : memref<100000x128xf32, #tpu.memory_space<hbm>>) dst(%dma_wait3A_13 : memref<64x128xf32, #tpu.memory_space<vmem>>)
    "tpu.region"() ({
      %run_scoped3A = tpu.sem_alloc : memref<!tpu.dma_semaphore, #tpu.memory_space<semaphore_mem>>
      %dma_start3A_19 = arith.constant 0 : i32
      %dma_start3A_20 = tpu.memref_slice %arg4[%mul3A_2, %dma_start3A_19] : memref<2048x128xf32, #tpu.memory_space<hbm>> -> memref<64x128xf32, #tpu.memory_space<hbm>>
      %dma_start3A_21 = arith.constant 0 : i32
      %dma_start3A_22 = tpu.memref_slice %arg4[%mul3A_2, %dma_start3A_21] : memref<2048x128xf32, #tpu.memory_space<hbm>> -> memref<64x128xf32, #tpu.memory_space<hbm>>
      tpu.enqueue_dma source(%arg6 : memref<64x128xf32, #tpu.memory_space<vmem>>) target(%dma_start3A_22 : memref<64x128xf32, #tpu.memory_space<hbm>>) target_semaphore(%run_scoped3A : memref<!tpu.dma_semaphore, #tpu.memory_space<semaphore_mem>>)
      %dma_wait3A_23 = arith.constant 0 : i32
      %dma_wait3A_24 = tpu.memref_slice %arg4[%mul3A_2, %dma_wait3A_23] : memref<2048x128xf32, #tpu.memory_space<hbm>> -> memref<64x128xf32, #tpu.memory_space<hbm>>
      %dma_wait3A_25 = arith.constant 0 : i32
      %dma_wait3A_26 = tpu.memref_slice %arg4[%mul3A_2, %dma_wait3A_25] : memref<2048x128xf32, #tpu.memory_space<hbm>> -> memref<64x128xf32, #tpu.memory_space<hbm>>
      tpu.wait_dma2 semaphore(%run_scoped3A : memref<!tpu.dma_semaphore, #tpu.memory_space<semaphore_mem>>) src(%arg6 : memref<64x128xf32, #tpu.memory_space<vmem>>) dst(%dma_wait3A_26 : memref<64x128xf32, #tpu.memory_space<hbm>>)
      tpu.yield
    }) : () -> ()
    return
  }
}

module attributes {stable_mosaic.version = 14 : i64} {
  func.func @_prep_body(%arg0: memref<128x2048xf32, #tpu.memory_space<vmem>>, %arg1: memref<2048x128xf32, #tpu.memory_space<vmem>>, %arg2: memref<1x2048xf32, #tpu.memory_space<vmem>>, %arg3: memref<128x2048xbf16, #tpu.memory_space<vmem>>, %arg4: memref<2048x128xbf16, #tpu.memory_space<vmem>>, %arg5: memref<128x128xf32, #tpu.memory_space<vmem>>) attributes {dimension_semantics = [], scalar_prefetch = 0 : i64, scratch_operands = 0 : i64, tpu.core_type = #tpu.core_type<tc>} {
    %get3A = arith.constant 0 : index
    %get3A_0 = arith.constant 0 : index
    %get3A_1 = vector.load %arg1[%get3A, %get3A_0] : memref<2048x128xf32, #tpu.memory_space<vmem>>, vector<2048x128xf32>
    %convert_element_type3A = arith.truncf %get3A_1 : vector<2048x128xf32> to vector<2048x128xbf16>
    %dot_general3A = arith.constant dense<0.000000e+00> : vector<128x128xf32>
    %dot_general3A_2 = tpu.matmul %convert_element_type3A, %convert_element_type3A, %dot_general3A {dimension_numbers = #tpu.dot_dimension_numbers<[0], [0], [1], [1], [0, 1, 1, 1], [], []>, transpose_lhs_hint = false} : vector<2048x128xbf16>, vector<2048x128xbf16>, vector<128x128xf32> -> vector<128x128xf32>
    %swap3A = arith.constant 0 : index
    %swap3A_3 = arith.constant 0 : index
    %swap3A_4 = vector.load %arg5[%swap3A, %swap3A_3] : memref<128x128xf32, #tpu.memory_space<vmem>>, vector<128x128xf32>
    tpu.vector_store %arg5[%swap3A, %swap3A_3], %dot_general3A_2 {strides = array<i32>} : memref<128x128xf32, #tpu.memory_space<vmem>>, vector<128x128xf32>,
    %get3A_5 = arith.constant 0 : index
    %get3A_6 = arith.constant 0 : index
    %get3A_7 = vector.load %arg2[%get3A_5, %get3A_6] : memref<1x2048xf32, #tpu.memory_space<vmem>>, vector<1x2048xf32>
    %reshape3A = vector.shape_cast %get3A_7 : vector<1x2048xf32> to vector<2048x1xf32>
    %mul3A = vector.broadcast %reshape3A : vector<2048x1xf32> to vector<2048x128xf32>
    %mul3A_8 = arith.mulf %get3A_1, %mul3A : vector<2048x128xf32>
    %convert_element_type3A_9 = arith.truncf %mul3A_8 : vector<2048x128xf32> to vector<2048x128xbf16>
    %swap3A_10 = arith.constant 0 : index
    %swap3A_11 = arith.constant 0 : index
    %swap3A_12 = vector.load %arg4[%swap3A_10, %swap3A_11] : memref<2048x128xbf16, #tpu.memory_space<vmem>>, vector<2048x128xbf16>
    tpu.vector_store %arg4[%swap3A_10, %swap3A_11], %convert_element_type3A_9 {strides = array<i32>} : memref<2048x128xbf16, #tpu.memory_space<vmem>>, vector<2048x128xbf16>,
    %get3A_13 = arith.constant 0 : index
    %get3A_14 = arith.constant 0 : index
    %get3A_15 = vector.load %arg0[%get3A_13, %get3A_14] : memref<128x2048xf32, #tpu.memory_space<vmem>>, vector<128x2048xf32>
    %convert_element_type3A_16 = arith.truncf %get3A_15 : vector<128x2048xf32> to vector<128x2048xbf16>
    %swap3A_17 = arith.constant 0 : index
    %swap3A_18 = arith.constant 0 : index
    %swap3A_19 = vector.load %arg3[%swap3A_17, %swap3A_18] : memref<128x2048xbf16, #tpu.memory_space<vmem>>, vector<128x2048xbf16>
    tpu.vector_store %arg3[%swap3A_17, %swap3A_18], %convert_element_type3A_16 {strides = array<i32>} : memref<128x2048xbf16, #tpu.memory_space<vmem>>, vector<128x2048xbf16>,
    return
  }
}

module attributes {stable_mosaic.version = 14 : i64} {
  func.func @_passa0_body(%arg0: i32, %arg1: memref<1024x2048xf32, #tpu.memory_space<vmem>>, %arg2: memref<1024x128xf32, #tpu.memory_space<vmem>>, %arg3: memref<128x2048xbf16, #tpu.memory_space<vmem>>, %arg4: memref<128x128xf32, #tpu.memory_space<vmem>>, %arg5: memref<1024x128xbf16, #tpu.memory_space<vmem>>) attributes {dimension_semantics = [#tpu.dimension_semantics<arbitrary>], iteration_bounds = array<i64: 2>, scalar_prefetch = 0 : i64, scratch_operands = 0 : i64, tpu.core_type = #tpu.core_type<tc>, window_params = [{transform_indices = @transform_0, window_bounds = array<i64: 1024, 2048>}, {transform_indices = @transform_1, window_bounds = array<i64: 1024, 128>}, {pipeline_mode = #tpu.pipeline_mode<synchronous>, transform_indices = @transform_2, window_bounds = array<i64: 128, 2048>}, {pipeline_mode = #tpu.pipeline_mode<synchronous>, transform_indices = @transform_3, window_bounds = array<i64: 128, 128>}, {transform_indices = @transform_4, window_bounds = array<i64: 1024, 128>}]} {
    %get3A = arith.constant 0 : index
    %get3A_0 = arith.constant 0 : index
    %get3A_1 = vector.load %arg1[%get3A, %get3A_0] : memref<1024x2048xf32, #tpu.memory_space<vmem>>, vector<1024x2048xf32>
    %convert_element_type3A = arith.truncf %get3A_1 : vector<1024x2048xf32> to vector<1024x2048xbf16>
    %get3A_2 = arith.constant 0 : index
    %get3A_3 = arith.constant 0 : index
    %get3A_4 = vector.load %arg3[%get3A_2, %get3A_3] : memref<128x2048xbf16, #tpu.memory_space<vmem>>, vector<128x2048xbf16>
    %dot_general3A = arith.constant dense<0.000000e+00> : vector<1024x128xf32>
    %dot_general3A_5 = tpu.matmul %convert_element_type3A, %get3A_4, %dot_general3A {dimension_numbers = #tpu.dot_dimension_numbers<[1], [1], [0], [0], [0, 0, 1, 0], [], []>, transpose_lhs_hint = false} : vector<1024x2048xbf16>, vector<128x2048xbf16>, vector<1024x128xf32> -> vector<1024x128xf32>
    %logistic3A = arith.negf %dot_general3A_5 : vector<1024x128xf32>
    %logistic3A_6 = math.exp %logistic3A : vector<1024x128xf32>
    %logistic3A_7 = arith.constant 1.000000e+00 : f32
    %logistic3A_8 = vector.broadcast %logistic3A_7 : f32 to vector<1024x128xf32>
    %logistic3A_9 = arith.addf %logistic3A_8, %logistic3A_6 : vector<1024x128xf32>
    %logistic3A_10 = arith.divf %logistic3A_8, %logistic3A_9 : vector<1024x128xf32>
    %get3A_11 = arith.constant 0 : index
    %get3A_12 = arith.constant 0 : index
    %get3A_13 = vector.load %arg2[%get3A_11, %get3A_12] : memref<1024x128xf32, #tpu.memory_space<vmem>>, vector<1024x128xf32>
    %add3A = arith.addf %get3A_13, %logistic3A_10 : vector<1024x128xf32>
    %convert_element_type3A_14 = arith.truncf %add3A : vector<1024x128xf32> to vector<1024x128xbf16>
    %get3A_15 = arith.constant 0 : index
    %get3A_16 = arith.constant 0 : index
    %get3A_17 = vector.load %arg4[%get3A_15, %get3A_16] : memref<128x128xf32, #tpu.memory_space<vmem>>, vector<128x128xf32>
    %dot_general3A_18 = arith.constant dense<0.000000e+00> : vector<1024x128xf32>
    %dot_general3A_19 = tpu.matmul %convert_element_type3A_14, %get3A_17, %dot_general3A_18 {dimension_numbers = #tpu.dot_dimension_numbers<[1], [0], [0], [1], [0, 0, 1, 1], [], []>, transpose_lhs_hint = false} : vector<1024x128xbf16>, vector<128x128xf32>, vector<1024x128xf32> -> vector<1024x128xf32>
    %mul3A = arith.mulf %add3A, %dot_general3A_19 : vector<1024x128xf32>
    %reduce_sum3A = arith.constant dense<0.000000e+00> : vector<1024xf32>
    %reduce_sum3A_20 = vector.multi_reduction <add>, %mul3A, %reduce_sum3A [1] : vector<1024x128xf32> to vector<1024xf32>
    %broadcast_in_dim3A = vector.shape_cast %reduce_sum3A_20 : vector<1024xf32> to vector<1024x1xf32>
    %mul3A_21 = arith.constant 4.8828125E-4 : f32
    %mul3A_22 = vector.broadcast %mul3A_21 : f32 to vector<1024x1xf32>
    %mul3A_23 = arith.mulf %broadcast_in_dim3A, %mul3A_22 : vector<1024x1xf32>
    %add3A_24 = arith.constant 9.99999997E-7 : f32
    %add3A_25 = vector.broadcast %add3A_24 : f32 to vector<1024x1xf32>
    %add3A_26 = arith.addf %mul3A_23, %add3A_25 : vector<1024x1xf32>
    %rsqrt3A = math.rsqrt %add3A_26 : vector<1024x1xf32>
    %mul3A_27 = vector.broadcast %rsqrt3A : vector<1024x1xf32> to vector<1024x128xf32>
    %mul3A_28 = arith.mulf %add3A, %mul3A_27 : vector<1024x128xf32>
    %convert_element_type3A_29 = arith.truncf %mul3A_28 : vector<1024x128xf32> to vector<1024x128xbf16>
    %swap3A = arith.constant 0 : index
    %swap3A_30 = arith.constant 0 : index
    %swap3A_31 = vector.load %arg5[%swap3A, %swap3A_30] : memref<1024x128xbf16, #tpu.memory_space<vmem>>, vector<1024x128xbf16>
    tpu.vector_store %arg5[%swap3A, %swap3A_30], %convert_element_type3A_29 {strides = array<i32>} : memref<1024x128xbf16, #tpu.memory_space<vmem>>, vector<1024x128xbf16>,
    return
  }
  func.func @transform_0(%arg0: i32) -> (i32, i32) {
    %c0_i32 = arith.constant 0 : i32
    %c0_i32_0 = arith.constant 0 : i32
    return %arg0, %c0_i32 : i32, i32
  }
  func.func @transform_1(%arg0: i32) -> (i32, i32) {
    %c0_i32 = arith.constant 0 : i32
    %c0_i32_0 = arith.constant 0 : i32
    return %arg0, %c0_i32 : i32, i32
  }
  func.func @transform_2(%arg0: i32) -> (i32, i32) {
    %c0_i32 = arith.constant 0 : i32
    %c0_i32_0 = arith.constant 0 : i32
    %c0_i32_1 = arith.constant 0 : i32
    return %c0_i32, %c0_i32_0 : i32, i32
  }
  func.func @transform_3(%arg0: i32) -> (i32, i32) {
    %c0_i32 = arith.constant 0 : i32
    %c0_i32_0 = arith.constant 0 : i32
    %c0_i32_1 = arith.constant 0 : i32
    return %c0_i32, %c0_i32_0 : i32, i32
  }
  func.func @transform_4(%arg0: i32) -> (i32, i32) {
    %c0_i32 = arith.constant 0 : i32
    %c0_i32_0 = arith.constant 0 : i32
    return %arg0, %c0_i32 : i32, i32
  }
}

module attributes {stable_mosaic.version = 14 : i64} {
  func.func @_passa1_body(%arg0: i32, %arg1: memref<1024x2048xf32, #tpu.memory_space<vmem>>, %arg2: memref<1024x128xf32, #tpu.memory_space<vmem>>, %arg3: memref<128x2048xbf16, #tpu.memory_space<vmem>>, %arg4: memref<128x128xf32, #tpu.memory_space<vmem>>, %arg5: memref<16384x128xbf16, #tpu.memory_space<any>>, %arg6: memref<1024x128xbf16, #tpu.memory_space<vmem>>) attributes {dimension_semantics = [#tpu.dimension_semantics<arbitrary>], iteration_bounds = array<i64: 14>, scalar_prefetch = 0 : i64, scratch_operands = 0 : i64, tpu.core_type = #tpu.core_type<tc>, window_params = [{transform_indices = @transform_0, window_bounds = array<i64: 1024, 2048>}, {transform_indices = @transform_1, window_bounds = array<i64: 1024, 128>}, {pipeline_mode = #tpu.pipeline_mode<synchronous>, transform_indices = @transform_2, window_bounds = array<i64: 128, 2048>}, {pipeline_mode = #tpu.pipeline_mode<synchronous>, transform_indices = @transform_3, window_bounds = array<i64: 128, 128>}, {}, {transform_indices = @transform_5, window_bounds = array<i64: 1024, 128>}]} {
    %get3A = arith.constant 0 : index
    %get3A_0 = arith.constant 0 : index
    %get3A_1 = vector.load %arg1[%get3A, %get3A_0] : memref<1024x2048xf32, #tpu.memory_space<vmem>>, vector<1024x2048xf32>
    %convert_element_type3A = arith.truncf %get3A_1 : vector<1024x2048xf32> to vector<1024x2048xbf16>
    %get3A_2 = arith.constant 0 : index
    %get3A_3 = arith.constant 0 : index
    %get3A_4 = vector.load %arg3[%get3A_2, %get3A_3] : memref<128x2048xbf16, #tpu.memory_space<vmem>>, vector<128x2048xbf16>
    %dot_general3A = arith.constant dense<0.000000e+00> : vector<1024x128xf32>
    %dot_general3A_5 = tpu.matmul %convert_element_type3A, %get3A_4, %dot_general3A {dimension_numbers = #tpu.dot_dimension_numbers<[1], [1], [0], [0], [0, 0, 1, 0], [], []>, transpose_lhs_hint = false} : vector<1024x2048xbf16>, vector<128x2048xbf16>, vector<1024x128xf32> -> vector<1024x128xf32>
    %logistic3A = arith.negf %dot_general3A_5 : vector<1024x128xf32>
    %logistic3A_6 = math.exp %logistic3A : vector<1024x128xf32>
    %logistic3A_7 = arith.constant 1.000000e+00 : f32
    %logistic3A_8 = vector.broadcast %logistic3A_7 : f32 to vector<1024x128xf32>
    %logistic3A_9 = arith.addf %logistic3A_8, %logistic3A_6 : vector<1024x128xf32>
    %logistic3A_10 = arith.divf %logistic3A_8, %logistic3A_9 : vector<1024x128xf32>
    %get3A_11 = arith.constant 0 : index
    %get3A_12 = arith.constant 0 : index
    %get3A_13 = vector.load %arg2[%get3A_11, %get3A_12] : memref<1024x128xf32, #tpu.memory_space<vmem>>, vector<1024x128xf32>
    %add3A = arith.addf %get3A_13, %logistic3A_10 : vector<1024x128xf32>
    %convert_element_type3A_14 = arith.truncf %add3A : vector<1024x128xf32> to vector<1024x128xbf16>
    %get3A_15 = arith.constant 0 : index
    %get3A_16 = arith.constant 0 : index
    %get3A_17 = vector.load %arg4[%get3A_15, %get3A_16] : memref<128x128xf32, #tpu.memory_space<vmem>>, vector<128x128xf32>
    %dot_general3A_18 = arith.constant dense<0.000000e+00> : vector<1024x128xf32>
    %dot_general3A_19 = tpu.matmul %convert_element_type3A_14, %get3A_17, %dot_general3A_18 {dimension_numbers = #tpu.dot_dimension_numbers<[1], [0], [0], [1], [0, 0, 1, 1], [], []>, transpose_lhs_hint = false} : vector<1024x128xbf16>, vector<128x128xf32>, vector<1024x128xf32> -> vector<1024x128xf32>
    %mul3A = arith.mulf %add3A, %dot_general3A_19 : vector<1024x128xf32>
    %reduce_sum3A = arith.constant dense<0.000000e+00> : vector<1024xf32>
    %reduce_sum3A_20 = vector.multi_reduction <add>, %mul3A, %reduce_sum3A [1] : vector<1024x128xf32> to vector<1024xf32>
    %broadcast_in_dim3A = vector.shape_cast %reduce_sum3A_20 : vector<1024xf32> to vector<1024x1xf32>
    %mul3A_21 = arith.constant 4.8828125E-4 : f32
    %mul3A_22 = vector.broadcast %mul3A_21 : f32 to vector<1024x1xf32>
    %mul3A_23 = arith.mulf %broadcast_in_dim3A, %mul3A_22 : vector<1024x1xf32>
    %add3A_24 = arith.constant 9.99999997E-7 : f32
    %add3A_25 = vector.broadcast %add3A_24 : f32 to vector<1024x1xf32>
    %add3A_26 = arith.addf %mul3A_23, %add3A_25 : vector<1024x1xf32>
    %rsqrt3A = math.rsqrt %add3A_26 : vector<1024x1xf32>
    %mul3A_27 = vector.broadcast %rsqrt3A : vector<1024x1xf32> to vector<1024x128xf32>
    %mul3A_28 = arith.mulf %add3A, %mul3A_27 : vector<1024x128xf32>
    %convert_element_type3A_29 = arith.truncf %mul3A_28 : vector<1024x128xf32> to vector<1024x128xbf16>
    %swap3A = arith.constant 0 : index
    %swap3A_30 = arith.constant 0 : index
    %swap3A_31 = vector.load %arg6[%swap3A, %swap3A_30] : memref<1024x128xbf16, #tpu.memory_space<vmem>>, vector<1024x128xbf16>
    tpu.vector_store %arg6[%swap3A, %swap3A_30], %convert_element_type3A_29 {strides = array<i32>} : memref<1024x128xbf16, #tpu.memory_space<vmem>>, vector<1024x128xbf16>,
    return
  }
  func.func @transform_0(%arg0: i32) -> (i32, i32) {
    %add3A = arith.constant 2 : i32
    %add3A_0 = arith.addi %arg0, %add3A : i32
    %c0_i32 = arith.constant 0 : i32
    %c0_i32_1 = arith.constant 0 : i32
    return %add3A_0, %c0_i32 : i32, i32
  }
  func.func @transform_1(%arg0: i32) -> (i32, i32) {
    %c0_i32 = arith.constant 0 : i32
    %c0_i32_0 = arith.constant 0 : i32
    return %arg0, %c0_i32 : i32, i32
  }
  func.func @transform_2(%arg0: i32) -> (i32, i32) {
    %c0_i32 = arith.constant 0 : i32
    %c0_i32_0 = arith.constant 0 : i32
    %c0_i32_1 = arith.constant 0 : i32
    return %c0_i32, %c0_i32_0 : i32, i32
  }
  func.func @transform_3(%arg0: i32) -> (i32, i32) {
    %c0_i32 = arith.constant 0 : i32
    %c0_i32_0 = arith.constant 0 : i32
    %c0_i32_1 = arith.constant 0 : i32
    return %c0_i32, %c0_i32_0 : i32, i32
  }
  func.func @transform_5(%arg0: i32) -> (i32, i32) {
    %add3A = arith.constant 2 : i32
    %add3A_0 = arith.addi %arg0, %add3A : i32
    %c0_i32 = arith.constant 0 : i32
    %c0_i32_1 = arith.constant 0 : i32
    return %add3A_0, %c0_i32 : i32, i32
  }
}

module attributes {stable_mosaic.version = 14 : i64} {
  func.func @_passb_body(%arg0: i32, %arg1: memref<1024x128xbf16, #tpu.memory_space<vmem>>, %arg2: memref<2048x128xbf16, #tpu.memory_space<vmem>>, %arg3: memref<1024x2048xf32, #tpu.memory_space<vmem>>) attributes {dimension_semantics = [#tpu.dimension_semantics<arbitrary>], iteration_bounds = array<i64: 16>, scalar_prefetch = 0 : i64, scratch_operands = 0 : i64, tpu.core_type = #tpu.core_type<tc>, window_params = [{transform_indices = @transform_0, window_bounds = array<i64: 1024, 128>}, {pipeline_mode = #tpu.pipeline_mode<synchronous>, transform_indices = @transform_1, window_bounds = array<i64: 2048, 128>}, {transform_indices = @transform_2, window_bounds = array<i64: 1024, 2048>}]} {
    %get3A = arith.constant 0 : index
    %get3A_0 = arith.constant 0 : index
    %get3A_1 = vector.load %arg1[%get3A, %get3A_0] : memref<1024x128xbf16, #tpu.memory_space<vmem>>, vector<1024x128xbf16>
    %get3A_2 = arith.constant 0 : index
    %get3A_3 = arith.constant 0 : index
    %get3A_4 = vector.load %arg2[%get3A_2, %get3A_3] : memref<2048x128xbf16, #tpu.memory_space<vmem>>, vector<2048x128xbf16>
    %dot_general3A = arith.constant dense<0.000000e+00> : vector<1024x2048xf32>
    %dot_general3A_5 = tpu.matmul %get3A_1, %get3A_4, %dot_general3A {dimension_numbers = #tpu.dot_dimension_numbers<[1], [1], [0], [0], [0, 0, 1, 0], [], []>, transpose_lhs_hint = false} : vector<1024x128xbf16>, vector<2048x128xbf16>, vector<1024x2048xf32> -> vector<1024x2048xf32>
    %swap3A = arith.constant 0 : index
    %swap3A_6 = arith.constant 0 : index
    %swap3A_7 = vector.load %arg3[%swap3A, %swap3A_6] : memref<1024x2048xf32, #tpu.memory_space<vmem>>, vector<1024x2048xf32>
    tpu.vector_store %arg3[%swap3A, %swap3A_6], %dot_general3A_5 {strides = array<i32>} : memref<1024x2048xf32, #tpu.memory_space<vmem>>, vector<1024x2048xf32>,
    return
  }
  func.func @transform_0(%arg0: i32) -> (i32, i32) {
    %c0_i32 = arith.constant 0 : i32
    %c0_i32_0 = arith.constant 0 : i32
    return %arg0, %c0_i32 : i32, i32
  }
  func.func @transform_1(%arg0: i32) -> (i32, i32) {
    %c0_i32 = arith.constant 0 : i32
    %c0_i32_0 = arith.constant 0 : i32
    %c0_i32_1 = arith.constant 0 : i32
    return %c0_i32, %c0_i32_0 : i32, i32
  }
  func.func @transform_2(%arg0: i32) -> (i32, i32) {
    %c0_i32 = arith.constant 0 : i32
    %c0_i32_0 = arith.constant 0 : i32
    return %arg0, %c0_i32 : i32, i32
  }
}

</mosaic_0001>

<sc_bundles>
// kernel: kernel.11.cloned.1.call-start
scs
__scs_entry_jumppad:
0x0: {  	(pc) =	sbr.rel $0x88, $3  }
0x1: {  	(tag) =	ssettag $0x0;
	lr =	simm.s32 $0x1  }
0x2: {  	[smem:$0x3F9B] =	sst lr;
	_ =	strace $0xD0000000  }
0x3: {  	_ = 	snop  }
0x4: {  	_ = 	snop  }
0x5: {  	_ = 	snop  }
0x6: {  	_ = 	snop  }
0x7: {  	_ = 	snop  }
__scs_overlays_trampoline_lowered:
0x8: {  	[smem:$0x3FAA] =	sst s0  }
0x9: {  	[smem:$0x3FAB] =	sst s1  }
0xa: {  	[smem:$0x3FAC] =	sst s2  }
0xb: {  	[smem:$0x3FAD] =	sst s3  }
0xc: {  	[smem:$0x3FAE] =	sst s4  }
0xd: {  	[smem:$0x3FAF] =	sst s5  }
0xe: {  	[smem:$0x3FB0] =	sst s6  }
0xf: {  	[smem:$0x3FB1] =	sst s7  }
0x10: {  	[smem:$0x3FB2] =	sst s8  }
0x11: {  	[smem:$0x3FB3] =	sst s9;
	s0 =	simm.s32 @!p0 $0x0  }
0x12: {  	s1 =	sld [smem:$0x3F99];
	s0 =	simm.s32 @p0 $0x1  }
0x13: {  	[smem:$0x3FB4] =	sst s0;
	s0 =	simm.s32 @!p1 $0x0  }
0x14: {  	s2 =	sld [smem:$0x3F98];
	s0 =	simm.s32 @p1 $0x1  }
0x15: {  	[smem:$0x3FB5] =	sst s0;
	s0 =	simm.s32 @!p2 $0x0  }
0x16: {  	s3 =	sld [smem:$0x3FDB];
	s0 =	simm.s32 @p2 $0x1  }
0x17: {  	s4 =	simm.s32 $0x1BF5;
	[smem:$0x3FB7] =	sst s0  }
0x18: {  	s0 =	sld [smem:$0x3F9A];
	_ =	swait.ge [sflag:s4], $0x0  }
0x19: {  	s7 =	sld [smem:$0x3F9B]  }
0x1a: {  	s8 =	sadd.s32 $0xFFFFE003, lr  }
0x1b: {  	s9 =	sadd.s32 $0xFFFFFEF7, lr;
	s5 =	simm.s32 $0xFFFFFFFF;
	p2 =	slt.u32 s8, $0xFFFFF086  }
0x1c: {  	p1 =	slt.u32 s9, $0xF7A;
	s5 =	simm.s32 @!p2 $0x0  }
0x1d: {  	s5 =	simm.s32 @p1 $0x1;
	p0 =	seq.s32 s7, s2  }
0x1e: {  	s7 =	smul.u32 @!p0 $0xF7A, s2;
	p2 =	seq.s32 @!p0 s5, $0x0  }
0x1f: {  	s9 =	smul.u32 $0xF7A, s1;
	s8 =	simm.s32 @!p0 $0x1BF5;
	p2 =	por !p2, p0  }
0x20: {  	[sflag:s8] =	ssyncset.s32 @!p0 $0xFFFFF086;
	s6 =	sadd.s32 @!p0 s3, s7;
	s7 =	simm.s32 @!p0 $0x108  }
0x21: {  	s3 =	sadd.s32 s3, s9;
	s6 =	sadd.s32 @!p0 $0x88, s6;
	s7 =	simm.s32 @p2 $0x1082  }
0x22: {  	[simem:s7], [sflag:s8] =	dma.local @!p0 [hbm:s6], $0xF7A  }
0x23: {  	s9 =	sor.u32 $0xD0000000, s2;
	s6 =	simm.s32 $0x108;
	_ =	swait.ge @!p0 [sflag:s8], $0x0  }
0x24: {  	s3 =	sadd.s32 $0x88, s3;
	s6 =	simm.s32 @!p1 $0x1082;
	[sflag:s4] =	ssyncset.s32 $0xFFFFF086  }
0x25: {  	[simem:s6], [sflag:s4] =	dma.local [hbm:s3], $0xF7A  }
0x26: {  	[smem:$0x3F9B] =	sst s1;
	(tag) =	ssettag s2;
	_ =	strace s9  }
0x27: {  	s1 =	sld [smem:$0x3FAB]  }
0x28: {  	s2 =	sld [smem:$0x3FAC]  }
0x29: {  	s4 =	sld [smem:$0x3FAE]  }
0x2a: {  	p0 =	seq.s32 s5, $0x0;
	s5 =	sld [smem:$0x3FAF]  }
0x2b: {  	s6 =	sld [smem:$0x3FB0]  }
0x2c: {  	s7 =	sld [smem:$0x3FB1]  }
0x2d: {  	s3 =	simm.s32 $0x108;
	s8 =	sld [smem:$0x3FB2]  }
0x2e: {  	s3 =	simm.s32 @!p0 $0x1082;
	s9 =	sld [smem:$0x3FB3]  }
0x2f: {  	lr =	sadd.s32 s0, s3;
	s0 =	sld [smem:$0x3FAA]  }
0x30: {  	s3 =	sld [smem:$0x3FAD]  }
0x31: {  	[smem:$0x3FB6] =	sst s10  }
0x32: {  	s10 =	sld [smem:$0x3FB4];
	_ =	sdelay $0x3  }
0x33: {  	p0 =	seq.s32 s10, $0x1;
	s10 =	sld [smem:$0x3FB6];
	_ =	sdelay $0x3  }
0x34: {  	[smem:$0x3FB6] =	sst s10  }
0x35: {  	s10 =	sld [smem:$0x3FB5];
	_ =	sdelay $0x3  }
0x36: {  	p1 =	seq.s32 s10, $0x1;
	s10 =	sld [smem:$0x3FB6];
	_ =	sdelay $0x3  }
0x37: {  	[smem:$0x3FB6] =	sst s10  }
0x38: {  	s10 =	sld [smem:$0x3FB7]  }
0x39: {  	_ = 	snop;
	(pc) =	sbr.ind lr, $3  }
0x3a: {  	_ = 	snop  }
0x3b: {  	_ = 	snop  }
0x3c: {  	p2 =	seq.s32 s10, $0x1;
	s10 =	sld [smem:$0x3FB6]  }
0x3d: {  	_ =	shalt  }
0x3e: {  	_ =	shalt  }
0x3f: {  	_ =	shalt  }
0x40: {  	_ =	shalt  }
0x41: {  	_ =	shalt  }
0x42: {  	_ =	shalt  }
0x43: {  	_ =	shalt  }
0x44: {  	_ =	shalt  }
0x45: {  	_ =	shalt  }
0x46: {  	_ =	shalt  }
0x47: {  	_ =	shalt  }
0x48: {  	_ =	shalt  }
0x49: {  	_ =	shalt  }
0x4a: {  	_ =	shalt  }
0x4b: {  	_ =	shalt  }
0x4c: {  	_ =	shalt  }
0x4d: {  	_ =	shalt  }
0x4e: {  	_ =	shalt  }
0x4f: {  	_ =	shalt  }
0x50: {  	_ =	shalt  }
0x51: {  	_ =	shalt  }
0x52: {  	_ =	shalt  }
0x53: {  	_ =	shalt  }
0x54: {  	_ =	shalt  }
0x55: {  	_ =	shalt  }
0x56: {  	_ =	shalt  }
0x57: {  	_ =	shalt  }
0x58: {  	_ =	shalt  }
0x59: {  	_ =	shalt  }
0x5a: {  	_ =	shalt  }
0x5b: {  	_ =	shalt  }
0x5c: {  	_ =	shalt  }
0x5d: {  	_ =	shalt  }
0x5e: {  	_ =	shalt  }
0x5f: {  	_ =	shalt  }
0x60: {  	_ =	shalt  }
0x61: {  	_ =	shalt  }
0x62: {  	_ =	shalt  }
0x63: {  	_ =	shalt  }
0x64: {  	_ =	shalt  }
0x65: {  	_ =	shalt  }
0x66: {  	_ =	shalt  }
0x67: {  	_ =	shalt  }
0x68: {  	_ =	shalt  }
0x69: {  	_ =	shalt  }
0x6a: {  	_ =	shalt  }
0x6b: {  	_ =	shalt  }
0x6c: {  	_ =	shalt  }
0x6d: {  	_ =	shalt  }
0x6e: {  	_ =	shalt  }
0x6f: {  	_ =	shalt  }
0x70: {  	_ =	shalt  }
0x71: {  	_ =	shalt  }
0x72: {  	_ =	shalt  }
0x73: {  	_ =	shalt  }
0x74: {  	_ =	shalt  }
0x75: {  	_ =	shalt  }
0x76: {  	_ =	shalt  }
0x77: {  	_ =	shalt  }
0x78: {  	_ =	shalt  }
0x79: {  	_ =	shalt  }
0x7a: {  	_ =	shalt  }
0x7b: {  	_ =	shalt  }
0x7c: {  	_ =	shalt  }
0x7d: {  	_ =	shalt  }
0x7e: {  	_ =	shalt  }
0x7f: {  	_ =	shalt  }
0x80: {  	_ =	shalt  }
0x81: {  	_ =	shalt  }
0x82: {  	_ =	shalt  }
0x83: {  	_ =	shalt  }
0x84: {  	_ =	shalt  }
0x85: {  	_ =	shalt  }
0x86: {  	_ =	shalt  }
0x87: {  	_ =	shalt  }
.Lfunc_end0:
.L_simem_size_0:
called_computation.1_lowered:
.L_overlay_start_0:
0x88: {  	s2 =	sld [smem:$0x3FD9]  }
0x89: {  	s3 =	sld [smem:$0x3FFE];
	_ =	sdelay $0x1  }
0x8a: {  	s1 =	srdreg.scid  }
0x8b: {  	s0 =	sand.u32 $0x1, s1  }
0x8c: {  	s17 =	sshll.u32 s0, $0xA;
	s2 =	sadd.s32 s3, s2  }
0x8d: {  	s2 =	sadd.s32 s2, s17  }
0x8e: {  	[smem:$0x3FC2] =	sst s2  }
0x8f: {  	_ = 	snop  }
0x90: {  	s4 =	sld [smem:$0x3FC7]  }
0x91: {  	s18 =	sld [smem:$0x3FD0];
	(tm) =	ssettm $0x1  }
0x92: {  	s19 =	sld [smem:$0x3FFB];
	_ =	sdelay $0x3  }
0x93: {  	_ =	strace s19  }
0x94: {  	s2 =	sld [smem:$0x3FFC];
	_ =	sdelay $0x3  }
0x95: {  	_ =	strace s2  }
0x96: {  	s2 =	sld [smem:$0x3FFD];
	_ =	sdelay $0x3  }
0x97: {  	_ =	strace s2  }
0x98: {  	_ =	strace $0x8FFFFFFF  }
0x99: {  	s20 =	sld [smem:$0x3FDB];
	_ =	sdelay $0x1  }
0x9a: {  	s5 =	simm.s32 $_scs_section_size  }
0x9b: {  	s6 =	simm.s32 $_size__tile_overlayer_lowered;
	s7 =	simm.s32 $_tile_overlayer_lowered  }
0x9c: {  	s8 =	simm.s32 $0x1BFF;
	s21 =	sshll.u32 s7, $0x1;
	s5 =	sadd.s32 s5, s20  }
0x9d: {  	s22 =	simm.s32 $0x0;
	s6 =	sshll.u32 s6, $0x1;
	s7 =	sadd.s32 s21, s5  }
0x9e: {  	[timem:s22], [sflag:s8] =	dma.local [hbm:s7], s6  }
0x9f: {  	_ =	swait.ge [sflag:s8], s6  }
0xa0: {  	s6 =	ssub.s32 $0x0, s6;
	[sflag:s8] =	ssyncset.done $0x0  }
0xa1: {  	[sflag:s8] =	ssyncadd.s32 s6;
	_ =	sdelay $0x1  }
0xa2: {  	s23 =	simm.s32 $0x1B8B  }
0xa3: {  	_ =	swait.ge [sflag:s23], $0x1  }
0xa4: {  	[sflag:s23] =	ssyncset.done $0x0  }
0xa5: {  	[sflag:s23] =	ssyncadd.s32 $0xFFFFFFFF  }
0xa6: {  	s6 =	sld [smem:$0x0]  }
0xa7: {  	s7 =	sand.u32 $0xFFFFFFFE, s1  }
0xa8: {  	p0 =	sne.s32 s1, s7  }
0xa9: {  	s7 =	sshll.u32 @p0 s7, $0xE  }
0xaa: {  	s7 =	sadd.s32 @p0 $0x11B8D, s7;
	s8 =	sshll.u32 @p0 s6, $0x11  }
0xab: {  	s7 =	sor.u32 @p0 s8, s7  }
0xac: {  	[sflag:s7] =	ssyncadd.remote.s32 @p0 $0x1;
	_ =	sdelay $0x1  }
0xad: {  	s7 =	simm.s32 @p0 $0x1B8D  }
0xae: {  	_ =	swait.eq @p0 [sflag:s7], $0x1  }
0xaf: {  	[sflag:s7] =	ssyncadd.s32 @p0 $0xFFFFFFFF  }
0xb0: {  	s8 =	sshll.u32 @!p0 s1, $0xE  }
0xb1: {  	s8 =	sor.u32 @!p0 $0x4000, s8;
	s7 =	simm.s32 @!p0 $0x1B8D  }
0xb2: {  	s6 =	sshll.u32 @!p0 s6, $0x11;
	s8 =	sadd.s32 @!p0 $0x11B8D, s8;
	_ =	swait.eq @!p0 [sflag:s7], $0x1  }
0xb3: {  	s6 =	sor.u32 @!p0 s6, s8;
	[sflag:s7] =	ssyncadd.s32 @!p0 $0xFFFFFFFF  }
0xb4: {  	s25 =	simm.s32 $0x1B8E;
	s24 =	sld [smem:$0x3FFE];
	[sflag:s6] =	ssyncadd.remote.s32 @!p0 $0x1  }
0xb5: {  	s26 =	simm.s32 $execute0_lowered;
	[smem:$0x3FD2] =	sst s25  }
0xb6: {  	s7 =	sshll.u32 s26, $0x1;
	_ =	strace $0x80000049;
	[dreg:$0x1] =	wrdreg $0xFFFFFFFF  }
0xb7: {  	s28 =	simm.s32 $_size_execute0_lowered;
	s5 =	sadd.s32 s5, s7;
	[dreg:$0x0] =	wrdreg $0x0  }
0xb8: {  	s7 =	sshll.u32 s28, $0x1;
	[dreg:$0x2] =	wrdreg s5  }
0xb9: {  	[dreg:$0x3] =	wrdreg s7  }
0xba: {  	[dreg:$0x4] =	wrdreg $0xC0  }
0xbb: {  	_ =	task [dreg:s22], $0x5FFFF  }
0xbc: {  	[dreg:$0x1] =	wrdreg $0xFFFFFFFF  }
0xbd: {  	[dreg:$0x0] =	wrdreg $0x60  }
0xbe: {  	[dreg:$0x2] =	wrdreg s4  }
0xbf: {  	[dreg:$0x3] =	wrdreg s24  }
0xc0: {  	[dreg:$0x4] =	wrdreg s18  }
0xc1: {  	[dreg:$0x5] =	wrdreg $0xA  }
0xc2: {  	_ =	task.clear_ibuf [dreg:s22], $0x6FFFF;
	_ =	strace $0x90000049  }
0xc3: {  	s29 =	simm.s32 $0xA;
	_ =	strace $0x8000004B  }
0xc4: {  	_ =	swait.ge [sflag:s29], $0x1  }
0xc5: {  	[sflag:s29] =	ssyncadd.s32 $0xFFFFFFFF  }
0xc6: {  	_ =	strace $0x9000004B  }
0xc7: {  	_ =	sfence  }
0xc8: {  	s30 =	sld [smem:$0x0];
	_ =	sdelay $0x2  }
0xc9: {  	s31 =	sshll.u32 s1, $0xD;
	s1 =	sshrl.u32 s1, $0x2  }
0xca: {  	s4 =	sand.u32 $0x4000, s31;
	s1 =	sadd.s32 s1, s30  }
0xcb: {  	s0 =	sor.u32 s4, s0;
	s1 =	sshll.u32 s1, $0x11  }
0xcc: {  	s0 =	sor.u32 s1, s0  }
0xcd: {  	s0 =	sadd.s32 $0x8F2B, s0  }
0xce: {  	[sflag:s0] =	ssyncadd.remote.s32 $0x1  }
0xcf: {  	_ =	sfence.sel $0xFFFF  }
0xd0: {  	[dreg:$0x0] =	wrdreg $0xFFFFFFFF;
	(pc) =	sbr.abs _section_cstart, $3  }
0xd1: {  	[dreg:$0x1] =	wrdreg $0xFFFFFFFF  }
0xd2: {  	_ =	task.clear_ibuf [dreg:s22], $0x2FFFF;
	_ =	strace $0x9FFFFFFF  }
0xd3: {  	(tm) =	ssettm $0x7FFFFFFF  }
tec
execute0_lowered:
.L_overlay_start_1:
0x0: {  	(tag) =	ssettag $0x1  }
0x1: {  	s1 =	srdreg.scid;
	s0 =	stileid.u32  }
0x2: {  	s14 =	sand.u32 $0x1, s1;
	s30 =	sshll.u32 s0, $0x1  }
0x3: {  	s2 =	rddreg [dreg:$0x0];
	s15 =	sor.u32 s14, s30  }
0x4: {  	s4 =	rddreg [dreg:$0x1];
	s5 =	smul.u32 $0x1C0, s15  }
0x5: {  	s16 =	rddreg [dreg:$0x2]  }
0x6: {  	s3 =	simm.s32 $0x0;
	s1 =	rddreg [dreg:$0x3];
	s5 =	sshrl.u32 s5, $0x3  }
0x7: {  	[smem:$0x7FF] =	sst s3;
	s4 =	sadd.s32 s4, s5  }
0x8: {  	_ =	strace $0x8000004A;
	s5 =	sadd.s32 $0x1500, s4;
	s4 =	simm.s32 $0x2  }
0x9: {  	[tilespmem:s3], [sflag:$0x2] =	stream.linear.gather [hbm4b:s5+s3], $0x1C0, $0x38;
	[tilespmem:$0xE200] =	vst v63  }
0xa: {  	_ =	swait.ge [sflag:s4], $0x1C0  }
0xb: {  	[sflag:s4] =	ssyncset.done $0x0  }
0xc: {  	s6 =	simm.s32 $0x70;
	s7 =	simm.s32 $0x200;
	[sflag:s4] =	ssyncadd.s32 $0xFFFFFE40  }
0xd: {  	[tilespmem:s7], [sflag:$0x1] =	stream.indirect.gather [hbm4b:s2+s6], $0x80, s3, s6, $0xb8;
	[tilespmem:$0xE200] =	vst v63  }
0xe: {  	s8 =	simm.s32 $0x3A00  }
0xf: {  	[tilespmem:s8], [sflag:$0x1] =	stream.indirect.gather [hbm4b:s2+s6], $0x80, s6, s6, $0xb8;
	[tilespmem:$0xE200] =	vst v63  }
0x10: {  	s9 =	simm.s32 $0xE0;
	s10 =	simm.s32 $0x7200  }
0x11: {  	[tilespmem:s10], [sflag:$0x1] =	stream.indirect.gather [hbm4b:s2+s6], $0x80, s9, s6, $0xb8;
	[tilespmem:$0xE200] =	vst v63  }
0x12: {  	s11 =	simm.s32 $0x150;
	s12 =	simm.s32 $0xAA00;
	s13 =	simm.s32 $0x1  }
0x13: {  	[tilespmem:s12], [sflag:$0x1] =	stream.indirect.gather [hbm4b:s2+s6], $0x80, s11, s6, $0xb8;
	[tilespmem:$0xE200] =	vst v63  }
0x14: {  	_ =	swait.ge [sflag:s13], $0x3800  }
0x15: {  	[sflag:s13] =	ssyncset.done $0x0  }
0x16: {  	[sflag:s13] =	ssyncadd.s32 $0xFFFFC800  }
0x17: {  	_ =	swait.ge [sflag:s13], $0x3800  }
0x18: {  	[sflag:s13] =	ssyncset.done $0x0  }
0x19: {  	s14 =	ssub.s32 $0x2, s14;
	[sflag:s13] =	ssyncadd.s32 $0xFFFFC800  }
0x1a: {  	s17 =	sshrl.u32 s14, $0x1;
	_ =	swait.ge [sflag:s13], $0x3800  }
0x1b: {  	s17 =	ssub.s32 s14, s17;
	[sflag:s13] =	ssyncset.done $0x0  }
0x1c: {  	s31 =	smax.u32 s17, $0x1;
	[sflag:s13] =	ssyncadd.s32 $0xFFFFC800  }
0x1d: {  	s15 =	smul.u32 $0x1C00, s15;
	p0 =	sne.s32 s31, $0x1;
	_ =	swait.ge [sflag:s13], $0x3800  }
.Ltmp0:
0x1e: {  	[sflag:s13] =	ssyncset.done $0x0;
	(pc) =	sbr.rel @!p0 .LBB2_2-.Ltmp0, $4  }
0x1f: {  	s14 =	sadd.s32 s16, s15;
	[sflag:s13] =	ssyncadd.s32 $0xFFFFC800  }
0x20: {  	[hbm4b:s14+s3] =	stream.linear.scatter [tilespmem:s7], [sflag:$0x2], $0xE000, $0x38;
	[tilespmem:$0xE200] =	vst v63  }
0x21: {  	_ =	swait.ge [sflag:s4], $0xE000  }
0x22: {  	s15 =	sadd.s32 $0xFFFFFFFF, s31;
	[sflag:s4] =	ssyncset.done $0x0  }
.LBB2_1:
0x23: {  	p0 =	sne.s32 s15, $0x1;
	s15 =	sadd.s32 $0xFFFFFFFF, s15;
	[sflag:s4] =	ssyncadd.s32 $0xFFFF2000  }
0x24: {  	[tilespmem:s3], [sflag:$0x2] =	stream.linear.gather [hbm4b:s5+s3], $0x1C0, $0x38;
	[tilespmem:$0xE200] =	vst v63  }
0x25: {  	_ =	swait.ge [sflag:s4], $0x1C0  }
0x26: {  	[sflag:s4] =	ssyncset.done $0x0  }
0x27: {  	[sflag:s4] =	ssyncadd.s32 $0xFFFFFE40  }
0x28: {  	[tilespmem:s7], [sflag:$0x1] =	stream.indirect.gather [hbm4b:s2+s6], $0x80, s3, s6, $0xb8;
	[tilespmem:$0xE200] =	vst v63  }
0x29: {  	_ = 	snop  }
0x2a: {  	[tilespmem:s8], [sflag:$0x1] =	stream.indirect.gather [hbm4b:s2+s6], $0x80, s6, s6, $0xb8;
	[tilespmem:$0xE200] =	vst v63  }
0x2b: {  	_ = 	snop  }
0x2c: {  	[tilespmem:s10], [sflag:$0x1] =	stream.indirect.gather [hbm4b:s2+s6], $0x80, s9, s6, $0xb8;
	[tilespmem:$0xE200] =	vst v63  }
0x2d: {  	_ = 	snop  }
0x2e: {  	[tilespmem:s12], [sflag:$0x1] =	stream.indirect.gather [hbm4b:s2+s6], $0x80, s11, s6, $0xb8;
	[tilespmem:$0xE200] =	vst v63  }
0x2f: {  	_ =	swait.ge [sflag:s13], $0x3800  }
0x30: {  	[sflag:s13] =	ssyncset.done $0x0  }
0x31: {  	[sflag:s13] =	ssyncadd.s32 $0xFFFFC800  }
0x32: {  	_ =	swait.ge [sflag:s13], $0x3800  }
0x33: {  	[sflag:s13] =	ssyncset.done $0x0  }
0x34: {  	[sflag:s13] =	ssyncadd.s32 $0xFFFFC800  }
0x35: {  	_ =	swait.ge [sflag:s13], $0x3800  }
0x36: {  	[sflag:s13] =	ssyncset.done $0x0  }
0x37: {  	[sflag:s13] =	ssyncadd.s32 $0xFFFFC800  }
0x38: {  	_ =	swait.ge [sflag:s13], $0x3800  }
.Ltmp1:
0x39: {  	[sflag:s13] =	ssyncset.done $0x0;
	(pc) =	sbr.rel @p0 .LBB2_1-.Ltmp1, $4  }
0x3a: {  	[sflag:s13] =	ssyncadd.s32 $0xFFFFC800  }
0x3b: {  	[hbm4b:s14+s3] =	stream.linear.scatter [tilespmem:s7], [sflag:$0x2], $0xE000, $0x38;
	[tilespmem:$0xE200] =	vst v63  }
0x3c: {  	_ =	swait.ge [sflag:s4], $0xE000  }
0x3d: {  	[sflag:s4] =	ssyncset.done $0x0  }
.LBB2_2:
0x3e: {  	[sflag:s4] =	ssyncadd.s32 $0xFFFF2000  }
0x3f: {  	_ =	sfence.sel $0x180000  }
0x40: {  	[bflag:$0x0] =	sbarrier.arrive $0xFFFF  }
0x41: {  	p0 =	sne.s32 s0, $0x0;
	_ =	strace $0x9000004A  }
0x42: {  	s0 =	sadd.s32 @!p0 $0x100000, s1;
	[bflag:$0x2] =	sbarrier.arrive $0xFFFF  }
0x43: {  	[sflag:s0] =	ssyncadd.tile.s32 @!p0 $0x1;
	_ =	shalt  }
.Lfunc_end2:
_tile_overlayer_lowered:
.L_overlay_start_2:
0x44: {  	(tag) =	ssettag $0x2  }
0x45: {  	s0 =	rddreg [dreg:$0x0];
	s2 =	stileid.u32  }
0x46: {  	s1 =	rddreg [dreg:$0x1];
	p0 =	sne.s32 s2, $0x0  }
0x47: {  	s3 =	rddreg [dreg:$0x2];
	[bflag:$0x3] =	sbarrier.arrive $0xFFFF;
	s2 =	simm.s32 @!p0 $0x1C02  }
0x48: {  	[timem:s3], [sflag:s2] =	dma.local @!p0 [hbm:s0], s1  }
0x49: {  	s0 =	simm.s32 @!p0 $0x2  }
0x4a: {  	_ =	swait.ge @!p0 [sflag:s0], s1  }
0x4b: {  	s1 =	ssub.s32 @!p0 $0x0, s1;
	[sflag:s0] =	ssyncset.done @!p0 $0x0  }
0x4c: {  	[sflag:s0] =	ssyncadd.s32 @!p0 s1  }
0x4d: {  	[bflag:$0x3] =	sbarrier.arrive $0xFFFF  }
0x4e: {  	_ =	shalt  }

// kernel: kernel.8.cloned.1.call-start
scs
__scs_entry_jumppad:
0x0: {  	(pc) =	sbr.rel $0x88, $3  }
0x1: {  	(tag) =	ssettag $0x0;
	lr =	simm.s32 $0x1  }
0x2: {  	[smem:$0x3F9B] =	sst lr;
	_ =	strace $0xD0000000  }
0x3: {  	_ = 	snop  }
0x4: {  	_ = 	snop  }
0x5: {  	_ = 	snop  }
0x6: {  	_ = 	snop  }
0x7: {  	_ = 	snop  }
__scs_overlays_trampoline_lowered:
0x8: {  	[smem:$0x3FAA] =	sst s0  }
0x9: {  	[smem:$0x3FAB] =	sst s1  }
0xa: {  	[smem:$0x3FAC] =	sst s2  }
0xb: {  	[smem:$0x3FAD] =	sst s3  }
0xc: {  	[smem:$0x3FAE] =	sst s4  }
0xd: {  	[smem:$0x3FAF] =	sst s5  }
0xe: {  	[smem:$0x3FB0] =	sst s6  }
0xf: {  	[smem:$0x3FB1] =	sst s7  }
0x10: {  	[smem:$0x3FB2] =	sst s8  }
0x11: {  	[smem:$0x3FB3] =	sst s9;
	s0 =	simm.s32 @!p0 $0x0  }
0x12: {  	s1 =	sld [smem:$0x3F99];
	s0 =	simm.s32 @p0 $0x1  }
0x13: {  	[smem:$0x3FB4] =	sst s0;
	s0 =	simm.s32 @!p1 $0x0  }
0x14: {  	s2 =	sld [smem:$0x3F98];
	s0 =	simm.s32 @p1 $0x1  }
0x15: {  	[smem:$0x3FB5] =	sst s0;
	s0 =	simm.s32 @!p2 $0x0  }
0x16: {  	s3 =	sld [smem:$0x3FDB];
	s0 =	simm.s32 @p2 $0x1  }
0x17: {  	s4 =	simm.s32 $0x1BF5;
	[smem:$0x3FB7] =	sst s0  }
0x18: {  	s0 =	sld [smem:$0x3F9A];
	_ =	swait.ge [sflag:s4], $0x0  }
0x19: {  	s7 =	sld [smem:$0x3F9B]  }
0x1a: {  	s8 =	sadd.s32 $0xFFFFE003, lr  }
0x1b: {  	s9 =	sadd.s32 $0xFFFFFEF7, lr;
	s5 =	simm.s32 $0xFFFFFFFF;
	p2 =	slt.u32 s8, $0xFFFFF086  }
0x1c: {  	p1 =	slt.u32 s9, $0xF7A;
	s5 =	simm.s32 @!p2 $0x0  }
0x1d: {  	s5 =	simm.s32 @p1 $0x1;
	p0 =	seq.s32 s7, s2  }
0x1e: {  	s7 =	smul.u32 @!p0 $0xF7A, s2;
	p2 =	seq.s32 @!p0 s5, $0x0  }
0x1f: {  	s9 =	smul.u32 $0xF7A, s1;
	s8 =	simm.s32 @!p0 $0x1BF5;
	p2 =	por !p2, p0  }
0x20: {  	[sflag:s8] =	ssyncset.s32 @!p0 $0xFFFFF086;
	s6 =	sadd.s32 @!p0 s3, s7;
	s7 =	simm.s32 @!p0 $0x108  }
0x21: {  	s3 =	sadd.s32 s3, s9;
	s6 =	sadd.s32 @!p0 $0x88, s6;
	s7 =	simm.s32 @p2 $0x1082  }
0x22: {  	[simem:s7], [sflag:s8] =	dma.local @!p0 [hbm:s6], $0xF7A  }
0x23: {  	s9 =	sor.u32 $0xD0000000, s2;
	s6 =	simm.s32 $0x108;
	_ =	swait.ge @!p0 [sflag:s8], $0x0  }
0x24: {  	s3 =	sadd.s32 $0x88, s3;
	s6 =	simm.s32 @!p1 $0x1082;
	[sflag:s4] =	ssyncset.s32 $0xFFFFF086  }
0x25: {  	[simem:s6], [sflag:s4] =	dma.local [hbm:s3], $0xF7A  }
0x26: {  	[smem:$0x3F9B] =	sst s1;
	(tag) =	ssettag s2;
	_ =	strace s9  }
0x27: {  	s1 =	sld [smem:$0x3FAB]  }
0x28: {  	s2 =	sld [smem:$0x3FAC]  }
0x29: {  	s4 =	sld [smem:$0x3FAE]  }
0x2a: {  	p0 =	seq.s32 s5, $0x0;
	s5 =	sld [smem:$0x3FAF]  }
0x2b: {  	s6 =	sld [smem:$0x3FB0]  }
0x2c: {  	s7 =	sld [smem:$0x3FB1]  }
0x2d: {  	s3 =	simm.s32 $0x108;
	s8 =	sld [smem:$0x3FB2]  }
0x2e: {  	s3 =	simm.s32 @!p0 $0x1082;
	s9 =	sld [smem:$0x3FB3]  }
0x2f: {  	lr =	sadd.s32 s0, s3;
	s0 =	sld [smem:$0x3FAA]  }
0x30: {  	s3 =	sld [smem:$0x3FAD]  }
0x31: {  	[smem:$0x3FB6] =	sst s10  }
0x32: {  	s10 =	sld [smem:$0x3FB4];
	_ =	sdelay $0x3  }
0x33: {  	p0 =	seq.s32 s10, $0x1;
	s10 =	sld [smem:$0x3FB6];
	_ =	sdelay $0x3  }
0x34: {  	[smem:$0x3FB6] =	sst s10  }
0x35: {  	s10 =	sld [smem:$0x3FB5];
	_ =	sdelay $0x3  }
0x36: {  	p1 =	seq.s32 s10, $0x1;
	s10 =	sld [smem:$0x3FB6];
	_ =	sdelay $0x3  }
0x37: {  	[smem:$0x3FB6] =	sst s10  }
0x38: {  	s10 =	sld [smem:$0x3FB7]  }
0x39: {  	_ = 	snop;
	(pc) =	sbr.ind lr, $3  }
0x3a: {  	_ = 	snop  }
0x3b: {  	_ = 	snop  }
0x3c: {  	p2 =	seq.s32 s10, $0x1;
	s10 =	sld [smem:$0x3FB6]  }
0x3d: {  	_ =	shalt  }
0x3e: {  	_ =	shalt  }
0x3f: {  	_ =	shalt  }
0x40: {  	_ =	shalt  }
0x41: {  	_ =	shalt  }
0x42: {  	_ =	shalt  }
0x43: {  	_ =	shalt  }
0x44: {  	_ =	shalt  }
0x45: {  	_ =	shalt  }
0x46: {  	_ =	shalt  }
0x47: {  	_ =	shalt  }
0x48: {  	_ =	shalt  }
0x49: {  	_ =	shalt  }
0x4a: {  	_ =	shalt  }
0x4b: {  	_ =	shalt  }
0x4c: {  	_ =	shalt  }
0x4d: {  	_ =	shalt  }
0x4e: {  	_ =	shalt  }
0x4f: {  	_ =	shalt  }
0x50: {  	_ =	shalt  }
0x51: {  	_ =	shalt  }
0x52: {  	_ =	shalt  }
0x53: {  	_ =	shalt  }
0x54: {  	_ =	shalt  }
0x55: {  	_ =	shalt  }
0x56: {  	_ =	shalt  }
0x57: {  	_ =	shalt  }
0x58: {  	_ =	shalt  }
0x59: {  	_ =	shalt  }
0x5a: {  	_ =	shalt  }
0x5b: {  	_ =	shalt  }
0x5c: {  	_ =	shalt  }
0x5d: {  	_ =	shalt  }
0x5e: {  	_ =	shalt  }
0x5f: {  	_ =	shalt  }
0x60: {  	_ =	shalt  }
0x61: {  	_ =	shalt  }
0x62: {  	_ =	shalt  }
0x63: {  	_ =	shalt  }
0x64: {  	_ =	shalt  }
0x65: {  	_ =	shalt  }
0x66: {  	_ =	shalt  }
0x67: {  	_ =	shalt  }
0x68: {  	_ =	shalt  }
0x69: {  	_ =	shalt  }
0x6a: {  	_ =	shalt  }
0x6b: {  	_ =	shalt  }
0x6c: {  	_ =	shalt  }
0x6d: {  	_ =	shalt  }
0x6e: {  	_ =	shalt  }
0x6f: {  	_ =	shalt  }
0x70: {  	_ =	shalt  }
0x71: {  	_ =	shalt  }
0x72: {  	_ =	shalt  }
0x73: {  	_ =	shalt  }
0x74: {  	_ =	shalt  }
0x75: {  	_ =	shalt  }
0x76: {  	_ =	shalt  }
0x77: {  	_ =	shalt  }
0x78: {  	_ =	shalt  }
0x79: {  	_ =	shalt  }
0x7a: {  	_ =	shalt  }
0x7b: {  	_ =	shalt  }
0x7c: {  	_ =	shalt  }
0x7d: {  	_ =	shalt  }
0x7e: {  	_ =	shalt  }
0x7f: {  	_ =	shalt  }
0x80: {  	_ =	shalt  }
0x81: {  	_ =	shalt  }
0x82: {  	_ =	shalt  }
0x83: {  	_ =	shalt  }
0x84: {  	_ =	shalt  }
0x85: {  	_ =	shalt  }
0x86: {  	_ =	shalt  }
0x87: {  	_ =	shalt  }
.Lfunc_end0:
.L_simem_size_0:
called_computation_lowered:
.L_overlay_start_0:
0x88: {  	s2 =	sld [smem:$0x3FD9]  }
0x89: {  	s3 =	sld [smem:$0x3FFE];
	_ =	sdelay $0x1  }
0x8a: {  	s1 =	srdreg.scid  }
0x8b: {  	s0 =	sand.u32 $0x1, s1  }
0x8c: {  	s17 =	sshll.u32 s0, $0xA;
	s2 =	sadd.s32 s3, s2  }
0x8d: {  	s2 =	sadd.s32 s2, s17  }
0x8e: {  	[smem:$0x3FC2] =	sst s2  }
0x8f: {  	_ = 	snop  }
0x90: {  	s2 =	sld [smem:$0x3FC7];
	(tm) =	ssettm $0x1  }
0x91: {  	s18 =	sld [smem:$0x3FFB];
	_ =	sdelay $0x3  }
0x92: {  	_ =	strace s18  }
0x93: {  	s3 =	sld [smem:$0x3FFC];
	_ =	sdelay $0x3  }
0x94: {  	_ =	strace s3  }
0x95: {  	s3 =	sld [smem:$0x3FFD];
	_ =	sdelay $0x3  }
0x96: {  	_ =	strace s3  }
0x97: {  	_ =	strace $0x8FFFFFFF  }
0x98: {  	s19 =	sld [smem:$0x3FDB];
	_ =	sdelay $0x1  }
0x99: {  	s4 =	simm.s32 $_scs_section_size  }
0x9a: {  	s5 =	simm.s32 $_size__tile_overlayer_lowered;
	s6 =	simm.s32 $_tile_overlayer_lowered  }
0x9b: {  	s22 =	simm.s32 $0x1BFF;
	s21 =	sshll.u32 s6, $0x1;
	s3 =	sadd.s32 s4, s19  }
0x9c: {  	s7 =	simm.s32 $0x0;
	s20 =	sshll.u32 s5, $0x1;
	s5 =	sadd.s32 s21, s3  }
0x9d: {  	[timem:s7], [sflag:s22] =	dma.local [hbm:s5], s20  }
0x9e: {  	_ =	swait.ge [sflag:s22], s20  }
0x9f: {  	s4 =	ssub.s32 $0x0, s20;
	[sflag:s22] =	ssyncset.done $0x0  }
0xa0: {  	[sflag:s22] =	ssyncadd.s32 s4;
	_ =	sdelay $0x1  }
0xa1: {  	s23 =	simm.s32 $0x1B8B  }
0xa2: {  	_ =	swait.ge [sflag:s23], $0x1  }
0xa3: {  	[sflag:s23] =	ssyncset.done $0x0  }
0xa4: {  	s25 =	simm.s32 $0x1B8E;
	s24 =	sld [smem:$0x3FFE];
	[sflag:s23] =	ssyncadd.s32 $0xFFFFFFFF  }
0xa5: {  	s26 =	simm.s32 $execute0_lowered;
	[smem:$0x3FD2] =	sst s25  }
0xa6: {  	s5 =	sshll.u32 s26, $0x1;
	_ =	strace $0x80000046;
	[dreg:$0x1] =	wrdreg $0xFFFFFFFF  }
0xa7: {  	s28 =	simm.s32 $_size_execute0_lowered;
	s3 =	sadd.s32 s3, s5;
	[dreg:$0x0] =	wrdreg $0x0  }
0xa8: {  	s5 =	sshll.u32 s28, $0x1;
	[dreg:$0x2] =	wrdreg s3  }
0xa9: {  	[dreg:$0x3] =	wrdreg s5  }
0xaa: {  	[dreg:$0x4] =	wrdreg $0xC0  }
0xab: {  	_ =	task [dreg:s7], $0x5FFFF  }
0xac: {  	[dreg:$0x1] =	wrdreg $0xFFFFFFFF  }
0xad: {  	[dreg:$0x0] =	wrdreg $0x60  }
0xae: {  	[dreg:$0x2] =	wrdreg s2  }
0xaf: {  	[dreg:$0x3] =	wrdreg s24  }
0xb0: {  	[dreg:$0x4] =	wrdreg $0x9  }
0xb1: {  	_ =	task.clear_ibuf [dreg:s7], $0x5FFFF;
	_ =	strace $0x90000046  }
0xb2: {  	s29 =	simm.s32 $0x9;
	_ =	strace $0x80000048  }
0xb3: {  	_ =	swait.ge [sflag:s29], $0x1  }
0xb4: {  	[sflag:s29] =	ssyncadd.s32 $0xFFFFFFFF  }
0xb5: {  	_ =	strace $0x90000048  }
0xb6: {  	_ =	sfence  }
0xb7: {  	s30 =	sld [smem:$0x0];
	_ =	sdelay $0x2  }
0xb8: {  	s31 =	sshll.u32 s1, $0xD;
	s1 =	sshrl.u32 s1, $0x2  }
0xb9: {  	s3 =	sand.u32 $0x4000, s31;
	s1 =	sadd.s32 s1, s30  }
0xba: {  	s0 =	sor.u32 s3, s0;
	s1 =	sshll.u32 s1, $0x11  }
0xbb: {  	s0 =	sor.u32 s1, s0  }
0xbc: {  	s0 =	sadd.s32 $0x8F2B, s0  }
0xbd: {  	[sflag:s0] =	ssyncadd.remote.s32 $0x1  }
0xbe: {  	_ =	sfence.sel $0xFFFF  }
0xbf: {  	[dreg:$0x0] =	wrdreg $0xFFFFFFFF;
	(pc) =	sbr.abs _section_cstart, $3  }
0xc0: {  	[dreg:$0x1] =	wrdreg $0xFFFFFFFF  }
0xc1: {  	_ =	task.clear_ibuf [dreg:s7], $0x2FFFF;
	_ =	strace $0x9FFFFFFF  }
0xc2: {  	(tm) =	ssettm $0x7FFFFFFF  }
0xc3: {  	_ =	shalt  }
tec
execute0_lowered:
.L_overlay_start_1:
0x0: {  	(tag) =	ssettag $0x1  }
0x1: {  	s1 =	srdreg.scid  }
0x2: {  	s0 =	stileid.u32;
	s2 =	rddreg [dreg:$0x0];
	s6 =	sand.u32 $0x1, s1  }
0x3: {  	s9 =	rddreg [dreg:$0x1];
	s30 =	sshll.u32 s0, $0x7;
	s3 =	sshll.u32 s6, $0x6  }
0x4: {  	s7 =	simm.s32 $0x80;
	s8 =	simm.s32 $0x1;
	s10 =	sor.u32 s3, s30  }
0x5: {  	s1 =	rddreg [dreg:$0x2];
	s3 =	simm.s32 $0x0;
	s4 =	sshrl.u32 s10, $0x3  }
0x6: {  	s11 =	ssub.s32 $0x2, s6;
	[smem:$0x7FF] =	sst s3;
	s4 =	sadd.s32 s4, s9  }
0x7: {  	_ =	strace $0x80000047;
	s5 =	sadd.s32 $0x1400, s4;
	s4 =	simm.s32 $0x2  }
0x8: {  	[tilespmem:s3], [sflag:$0x2] =	stream.linear.gather [hbm4b:s5+s3], $0x40, $0x38;
	[tilespmem:$0x2080] =	vst v63  }
0x9: {  	s6 =	simm.s32 $0x40;
	s12 =	sshrl.u32 s11, $0x1;
	_ =	swait.ge [sflag:s4], $0x40  }
0xa: {  	s10 =	sshll.u32 s10, $0x4;
	s31 =	ssub.s32 s11, s12;
	[sflag:s4] =	ssyncset.done $0x0  }
0xb: {  	s9 =	sadd.s32 s10, s9;
	s10 =	smax.u32 s31, $0x1;
	[sflag:s4] =	ssyncadd.s32 $0xFFFFFFC0  }
0xc: {  	[tilespmem:s7], [sflag:$0x1] =	stream.indirect.gather [hbm4b:s2+s6], $0x80, s3, s6, $0xb8;
	[tilespmem:$0x2080] =	vst v63  }
0xd: {  	p0 =	sne.s32 s10, $0x1;
	_ =	swait.ge [sflag:s8], $0x2000  }
.Ltmp0:
0xe: {  	[sflag:s8] =	ssyncset.done $0x0;
	(pc) =	sbr.rel @!p0 .LBB2_2-.Ltmp0, $4  }
0xf: {  	s9 =	sadd.s32 $0x1C00, s9;
	[sflag:s8] =	ssyncadd.s32 $0xFFFFE000  }
0x10: {  	[hbm4b:s9+s3] =	stream.linear.scatter [tilespmem:s7], [sflag:$0x2], $0x2000, $0x38;
	[tilespmem:$0x2080] =	vst v63  }
0x11: {  	_ =	swait.ge [sflag:s4], $0x2000  }
0x12: {  	s10 =	sadd.s32 $0xFFFFFFFF, s10;
	[sflag:s4] =	ssyncset.done $0x0  }
.LBB2_1:
0x13: {  	p0 =	sne.s32 s10, $0x1;
	s10 =	sadd.s32 $0xFFFFFFFF, s10;
	[sflag:s4] =	ssyncadd.s32 $0xFFFFE000  }
0x14: {  	[tilespmem:s3], [sflag:$0x2] =	stream.linear.gather [hbm4b:s5+s3], $0x40, $0x38;
	[tilespmem:$0x2080] =	vst v63  }
0x15: {  	_ =	swait.ge [sflag:s4], $0x40  }
0x16: {  	[sflag:s4] =	ssyncset.done $0x0  }
0x17: {  	[sflag:s4] =	ssyncadd.s32 $0xFFFFFFC0  }
0x18: {  	[tilespmem:s7], [sflag:$0x1] =	stream.indirect.gather [hbm4b:s2+s6], $0x80, s3, s6, $0xb8;
	[tilespmem:$0x2080] =	vst v63  }
0x19: {  	_ =	swait.ge [sflag:s8], $0x2000  }
.Ltmp1:
0x1a: {  	[sflag:s8] =	ssyncset.done $0x0;
	(pc) =	sbr.rel @p0 .LBB2_1-.Ltmp1, $4  }
0x1b: {  	[sflag:s8] =	ssyncadd.s32 $0xFFFFE000  }
0x1c: {  	[hbm4b:s9+s3] =	stream.linear.scatter [tilespmem:s7], [sflag:$0x2], $0x2000, $0x38;
	[tilespmem:$0x2080] =	vst v63  }
0x1d: {  	_ =	swait.ge [sflag:s4], $0x2000  }
0x1e: {  	[sflag:s4] =	ssyncset.done $0x0  }
.LBB2_2:
0x1f: {  	[sflag:s4] =	ssyncadd.s32 $0xFFFFE000  }
0x20: {  	_ =	sfence.sel $0x180000  }
0x21: {  	[bflag:$0x0] =	sbarrier.arrive $0xFFFF  }
0x22: {  	p0 =	sne.s32 s0, $0x0;
	_ =	strace $0x90000047  }
0x23: {  	s0 =	sadd.s32 @!p0 $0x100000, s1;
	[bflag:$0x2] =	sbarrier.arrive $0xFFFF  }
0x24: {  	[sflag:s0] =	ssyncadd.tile.s32 @!p0 $0x1;
	_ =	shalt  }
.Lfunc_end2:
_tile_overlayer_lowered:
.L_overlay_start_2:
0x25: {  	(tag) =	ssettag $0x2  }
0x26: {  	s0 =	rddreg [dreg:$0x0];
	s2 =	stileid.u32  }
0x27: {  	s1 =	rddreg [dreg:$0x1];
	p0 =	sne.s32 s2, $0x0  }
0x28: {  	s3 =	rddreg [dreg:$0x2];
	[bflag:$0x3] =	sbarrier.arrive $0xFFFF;
	s2 =	simm.s32 @!p0 $0x1C02  }
0x29: {  	[timem:s3], [sflag:s2] =	dma.local @!p0 [hbm:s0], s1  }
0x2a: {  	s0 =	simm.s32 @!p0 $0x2  }
0x2b: {  	_ =	swait.ge @!p0 [sflag:s0], s1  }
0x2c: {  	s1 =	ssub.s32 @!p0 $0x0, s1;
	[sflag:s0] =	ssyncset.done @!p0 $0x0  }
0x2d: {  	[sflag:s0] =	ssyncadd.s32 @!p0 s1  }
0x2e: {  	[bflag:$0x3] =	sbarrier.arrive $0xFFFF  }
0x2f: {  	_ =	shalt  }

</sc_bundles>
